<compile_context>
chip_gen: v7x
topology: tpu7x:2x2x1
jax: 0.10.2.dev20260603
libtpu: 0.0.44.dev20260713+nightly
codegen_flags: <defaults>
</compile_context>

<pallas_src>
import functools

import jax
import jax.numpy as jnp
from jax import lax
from jax.experimental import pallas as pl
from jax.experimental.pallas import tpu as pltpu
from jax.experimental.pallas import tpu_sc as plsc

N = 10000
E = 320000
D = 128
U = 128

NC = 2
NS = 16
NW = NC * NS
LANES = 16

EPW = E // NW
K = 128
FULL_CHUNKS = EPW // K
TAIL = EPW - FULL_CHUNKS * K
CH = 2000
RPT = N // NS

_mesh = plsc.VectorSubcoreMesh(core_axis_name="c", subcore_axis_name="s")
_sc_params = pltpu.CompilerParams(needs_layout_passes=False,
                                  use_tc_tiling_on_sc=False)


@functools.partial(
    pl.kernel,
    out_type=(
        jax.ShapeDtypeStruct((NW, N), jnp.float32),
        jax.ShapeDtypeStruct((NW, N), jnp.float32),
    ),
    mesh=_mesh,
    scratch_types=[
        pltpu.VMEM((N,), jnp.float32),
        pltpu.VMEM((N,), jnp.float32),
        [pltpu.VMEM((CH,), jnp.int32) for _ in range(2)],
        [pltpu.VMEM((CH,), jnp.int32) for _ in range(2)],
        [pltpu.SemaphoreType.DMA for _ in range(2)],
    ],
    compiler_params=_sc_params,
)
def _deg_kernel(refA_hbm, refB_hbm, outA, outB, histA, histB, bufA, bufB,
                dsem):
    c = lax.axis_index("c")
    s = lax.axis_index("s")
    wid = s * NC + c

    zeros = jnp.zeros((LANES,), jnp.float32)

    def zero_body(i, carry):
        histA[pl.ds(i * LANES, LANES)] = zeros
        histB[pl.ds(i * LANES, LANES)] = zeros
        return carry

    lax.fori_loop(0, N // LANES, zero_body, 0)

    base = wid * EPW
    ones = jnp.ones((LANES,), jnp.float32)
    NCHUNK = EPW // CH
    UNROLL = 5

    def load(o, b):
        pltpu.async_copy(refA_hbm.at[pl.ds(base + o * CH, CH)], bufA[b],
                         dsem[b])
        pltpu.async_copy(refB_hbm.at[pl.ds(base + o * CH, CH)], bufB[b],
                         dsem[b])

    load(0, 0)
    for o in range(NCHUNK):
        b = o % 2
        if o + 1 < NCHUNK:
            load(o + 1, 1 - b)
        pltpu.make_async_copy(refA_hbm.at[pl.ds(0, CH)], bufA[b],
                              dsem[b]).wait()
        pltpu.make_async_copy(refB_hbm.at[pl.ds(0, CH)], bufB[b],
                              dsem[b]).wait()

        def inner(i, icarry):
            for u in range(UNROLL):
                off = (i * UNROLL + u) * LANES
                ia = bufA[b][pl.ds(off, LANES)]
                ib = bufB[b][pl.ds(off, LANES)]
                plsc.addupdate_scatter(histA, [ia], ones)
                plsc.addupdate_scatter(histB, [ib], ones)
            return icarry

        lax.fori_loop(0, CH // (LANES * UNROLL), inner, 0)

    pltpu.sync_copy(histA, outA.at[wid])
    pltpu.sync_copy(histB, outB.at[wid])


NBUF = 2

@functools.partial(
    pl.kernel,
    out_type=jax.ShapeDtypeStruct((NC * N, D), jnp.float32),
    mesh=_mesh,
    scratch_types=[
        pltpu.VMEM((EPW,), jnp.int32),
        [pltpu.VMEM((K,), jnp.int32) for _ in range(NBUF)],
        pltpu.VMEM((TAIL,), jnp.int32),
        [pltpu.VMEM((K, D), jnp.float32) for _ in range(NBUF)],
        pltpu.VMEM_SHARED((N, D), jnp.float32),
        [pltpu.SemaphoreType.DMA for _ in range(NBUF)],
        [pltpu.SemaphoreType.DMA for _ in range(NBUF)],
        pltpu.SemaphoreType.DMA,
        pltpu.SemaphoreType.DMA,
    ],
    compiler_params=_sc_params,
)
def _agg_kernel(xn_hbm, refA_hbm, refB_hbm, out_hbm,
                idxA_full, idxB_s, idxB_t, rows, acc, gsem, isem, zsem, asem):
    c = lax.axis_index("c")
    s = lax.axis_index("s")

    ebase = (c * NS + s) * EPW
    zeros = jnp.zeros((LANES,), jnp.float32)

    def zrow(r, carry):
        for j in range(D // LANES):
            rows[0][r, pl.ds(j * LANES, LANES)] = zeros
        return carry

    lax.fori_loop(0, K, zrow, 0)

    NZ = RPT // K
    ZREM = RPT - NZ * K
    for j in range(NZ):
        pltpu.async_copy(rows[0].at[pl.ds(0, K)],
                         acc.at[pl.ds(s * RPT + j * K, K)], zsem)
    pltpu.async_copy(rows[0].at[pl.ds(0, ZREM)],
                     acc.at[pl.ds(s * RPT + NZ * K, ZREM)], zsem)
    pltpu.async_copy(refA_hbm.at[pl.ds(ebase, EPW)], idxA_full, asem)

    def load_idxB(o, b):
        pltpu.async_copy(refB_hbm.at[pl.ds(ebase + o * K, K)], idxB_s[b],
                         isem[b])

    for b in range(NBUF):
        load_idxB(b, b)

    for j in range(NZ):
        pltpu.make_async_copy(xn_hbm.at[pl.ds(0, K)], rows[0].at[pl.ds(0, K)],
                              zsem).wait()
    pltpu.make_async_copy(xn_hbm.at[pl.ds(0, ZREM)],
                          rows[0].at[pl.ds(0, ZREM)], zsem).wait()
    plsc.subcore_barrier()
    pltpu.make_async_copy(refA_hbm.at[pl.ds(0, EPW)], idxA_full, asem).wait()

    def start_gather(o, b):
        pltpu.async_copy(xn_hbm.at[idxA_full.at[pl.ds(o * K, K)]],
                         rows[b], gsem[b])

    for b in range(NBUF):
        start_gather(b, b)

    def process(o, b):
        pltpu.make_async_copy(xn_hbm.at[pl.ds(0, K)], rows[b], gsem[b]).wait()
        pltpu.make_async_copy(refB_hbm.at[pl.ds(0, K)], idxB_s[b],
                              isem[b]).wait()
        pltpu.sync_copy(rows[b], acc.at[idxB_s[b]], add=True)

    def group(g, carry):
        for b in range(NBUF):
            o = g * NBUF + b
            process(o, b)
            load_idxB(o + NBUF, b)
            start_gather(o + NBUF, b)
        return carry

    G = (FULL_CHUNKS - NBUF - 1) // NBUF
    lax.fori_loop(0, G, group, 0)
    tail_b = (FULL_CHUNKS - 2) % NBUF
    for o in range(G * NBUF, FULL_CHUNKS):
        b = o % NBUF
        process(o, b)
        if o + NBUF < FULL_CHUNKS:
            load_idxB(o + NBUF, b)
            start_gather(o + NBUF, b)
        if o == FULL_CHUNKS - 2:
            pltpu.async_copy(
                refB_hbm.at[pl.ds(ebase + FULL_CHUNKS * K, TAIL)], idxB_t,
                isem[tail_b])
            pltpu.async_copy(
                xn_hbm.at[idxA_full.at[pl.ds(FULL_CHUNKS * K, TAIL)]],
                rows[tail_b].at[pl.ds(0, TAIL)], gsem[tail_b])

    pltpu.make_async_copy(xn_hbm.at[pl.ds(0, TAIL)],
                          rows[tail_b].at[pl.ds(0, TAIL)],
                          gsem[tail_b]).wait()
    pltpu.make_async_copy(refB_hbm.at[pl.ds(0, TAIL)], idxB_t,
                          isem[tail_b]).wait()
    pltpu.sync_copy(rows[tail_b].at[pl.ds(0, TAIL)], acc.at[idxB_t], add=True)

    plsc.subcore_barrier()
    pltpu.sync_copy(acc.at[pl.ds(s * RPT, RPT)],
                    out_hbm.at[pl.ds(c * N + s * RPT, RPT)])


def _xn_body(degA_ref, x_ref, o_ref):
    deg = jnp.sum(degA_ref[...], axis=0)
    r = lax.rsqrt(jnp.maximum(deg, 1.0))
    o_ref[...] = x_ref[...] * r[:, None]


_xn_call = pl.pallas_call(
    _xn_body, out_shape=jax.ShapeDtypeStruct((N, D), jnp.float32))


def _out_body(acc_ref, degB_ref, w_ref, b_ref, o_ref):
    deg = jnp.sum(degB_ref[...], axis=0)
    r = lax.rsqrt(jnp.maximum(deg, 1.0))
    S = (acc_ref[:N, :] + acc_ref[N:, :]) * r[:, None]
    y = jnp.dot(S, w_ref[...], preferred_element_type=jnp.float32)
    o_ref[...] = jnp.maximum(y + b_ref[...][None, :], 0.0)


_out_call = pl.pallas_call(
    _out_body, out_shape=jax.ShapeDtypeStruct((N, U), jnp.float32))


def kernel(X, ref_A, ref_B, W, b):
    degA_parts, degB_parts = _deg_kernel(ref_A, ref_B)
    Xn = _xn_call(degA_parts, X)
    acc = _agg_kernel(Xn, ref_A, ref_B)
    return _out_call(acc, degB_parts, W, b)

# --- scband reference (transcript-rebuilt; emitter-appended) ---
"""Pipeline reference for scband-convolution-layer-75943611728597 (READ-ONLY COPY).

The authoritative reference and input builder live on the scoring server;
editing this copy changes nothing except your own understanding.
"""

import jax, jax.numpy as jnp
import numpy as np

N = 10000
E = 320000
D = 128
U = 128


def setup_inputs(seed: int = 0) -> dict:
    key = jax.random.key(seed)
    k1, k2, k3, k4 = jax.random.split(key, 4)
    X = jax.random.normal(k1, (N, D), dtype=jnp.float32)
    ref_A = jax.random.randint(k2, (E,), 0, N, dtype=jnp.int32)
    ref_B = jax.random.randint(k3, (E,), 0, N, dtype=jnp.int32)
    # GlorotUniform weight (D -> U) and zero bias, as built by the Keras layer
    limit = float(np.sqrt(6.0 / (D + U)))
    W = jax.random.uniform(k4, (D, U), minval=-limit, maxval=limit, dtype=jnp.float32)
    b = jnp.zeros((U,), dtype=jnp.float32)
    return {"X": X, "ref_A": ref_A, "ref_B": ref_B, "W": W, "b": b}


def reference(X, ref_A, ref_B, W, b):
    # drop_type=None -> mask=None, node_mask=False
    # normalize_convo: symmetric degree-normalized message passing over the
    # edge list (ref_A = source node ids, ref_B = destination node ids).
    ones = jnp.ones((E,), dtype=jnp.float32)
    deg_out = jnp.zeros((N,), dtype=jnp.float32).at[ref_A].add(ones)
    deg_in = jnp.zeros((N,), dtype=jnp.float32).at[ref_B].add(ones)
    deg_out = jnp.maximum(deg_out, 1.0)
    deg_in = jnp.maximum(deg_in, 1.0)
    norm = jax.lax.rsqrt(deg_out[ref_A] * deg_in[ref_B])  # [E]
    msgs = jnp.take(X, ref_A, axis=0) * norm[:, None]      # gather [E, D]
    conv_X = jnp.zeros((N, D), dtype=jnp.float32).at[ref_B].add(msgs)  # scatter-add
    out = jax.nn.relu(conv_X @ W + b)
    return out

if __name__ == "__main__":
    import jax
    _d = setup_inputs()
    print(jax.jit(kernel)(*tuple(_d.values())))

</pallas_src>

<mosaic_0001>
#map = affine_map<(d0, d1) -> (0, 0)>
#map1 = affine_map<(d0, d1) -> (0)>
module attributes {stable_mosaic.version = 14 : i64} {
  func.func @_agg_kernel(%arg0: i32, %arg1: i32, %arg2: memref<10000x128xf32, #tpu.memory_space<hbm>>, %arg3: memref<320000xi32, #tpu.memory_space<hbm>>, %arg4: memref<320000xi32, #tpu.memory_space<hbm>>, %arg5: memref<20000x128xf32, #tpu.memory_space<hbm>>, %arg6: memref<10000xi32, #tpu.memory_space<vmem>>, %arg7: memref<128xi32, #tpu.memory_space<vmem>>, %arg8: memref<128xi32, #tpu.memory_space<vmem>>, %arg9: memref<16xi32, #tpu.memory_space<vmem>>, %arg10: memref<128x128xf32, #tpu.memory_space<vmem>>, %arg11: memref<128x128xf32, #tpu.memory_space<vmem>>, %arg12: memref<10000x128xf32, #tpu.memory_space<vmem_shared>>, %arg13: memref<!tpu.dma_semaphore, #tpu.memory_space<semaphore_mem>>, %arg14: memref<!tpu.dma_semaphore, #tpu.memory_space<semaphore_mem>>, %arg15: memref<!tpu.dma_semaphore, #tpu.memory_space<semaphore_mem>>, %arg16: memref<!tpu.dma_semaphore, #tpu.memory_space<semaphore_mem>>, %arg17: memref<!tpu.dma_semaphore, #tpu.memory_space<semaphore_mem>>, %arg18: memref<!tpu.dma_semaphore, #tpu.memory_space<semaphore_mem>>) attributes {dimension_semantics = [#tpu.dimension_semantics<core_parallel>, #tpu.dimension_semantics<subcore_parallel>], iteration_bounds = array<i64: 2, 16>, scalar_prefetch = 0 : i64, scratch_operands = 13 : i64, tpu.core_type = #tpu.core_type<sc_vector_subcore>, window_params = [{transform_indices = #map}, {transform_indices = #map1}, {transform_indices = #map1}, {transform_indices = #map}]} {
    %mul3A = arith.constant 16 : i32
    %mul3A_0 = arith.muli %arg0, %mul3A : i32
    %add3A = arith.addi %mul3A_0, %arg1 : i32
    %mul3A_1 = arith.constant 10000 : i32
    %mul3A_2 = arith.muli %add3A, %mul3A_1 : i32
    %broadcast_in_dim3A = arith.constant 0.000000e+00 : f32
    %broadcast_in_dim3A_3 = vector.broadcast %broadcast_in_dim3A : f32 to vector<16xf32>
    %scan3A = arith.constant 0 : i32
    %scan3A_4 = arith.constant 0 : i32
    %scan3A_5 = arith.constant 128 : i32
    %scan3A_6 = arith.addi %scan3A_4, %scan3A_5 : i32
    %scan3A_7 = arith.constant 1 : i32
    scf.for %scan3A_261 = %scan3A_4 to %scan3A_6 step %scan3A_7  : i32 {
      %swap3A = arith.index_cast %scan3A_261 : i32 to index
      %swap3A_262 = arith.constant 0 : index
      %swap3A_263 = tpu.vector_load %arg10[%swap3A, %swap3A_262] {strides = array<i32>} : memref<128x128xf32, #tpu.memory_space<vmem>>, vector<16xf32>,
      tpu.vector_store %arg10[%swap3A, %swap3A_262], %broadcast_in_dim3A_3 {strides = array<i32>} : memref<128x128xf32, #tpu.memory_space<vmem>>, vector<16xf32>,
      %swap3A_264 = arith.index_cast %scan3A_261 : i32 to index
      %swap3A_265 = arith.constant 16 : index
      %swap3A_266 = tpu.vector_load %arg10[%swap3A_264, %swap3A_265] {strides = array<i32>} : memref<128x128xf32, #tpu.memory_space<vmem>>, vector<16xf32>,
      tpu.vector_store %arg10[%swap3A_264, %swap3A_265], %broadcast_in_dim3A_3 {strides = array<i32>} : memref<128x128xf32, #tpu.memory_space<vmem>>, vector<16xf32>,
      %swap3A_267 = arith.index_cast %scan3A_261 : i32 to index
      %swap3A_268 = arith.constant 32 : index
      %swap3A_269 = tpu.vector_load %arg10[%swap3A_267, %swap3A_268] {strides = array<i32>} : memref<128x128xf32, #tpu.memory_space<vmem>>, vector<16xf32>,
      tpu.vector_store %arg10[%swap3A_267, %swap3A_268], %broadcast_in_dim3A_3 {strides = array<i32>} : memref<128x128xf32, #tpu.memory_space<vmem>>, vector<16xf32>,
      %swap3A_270 = arith.index_cast %scan3A_261 : i32 to index
      %swap3A_271 = arith.constant 48 : index
      %swap3A_272 = tpu.vector_load %arg10[%swap3A_270, %swap3A_271] {strides = array<i32>} : memref<128x128xf32, #tpu.memory_space<vmem>>, vector<16xf32>,
      tpu.vector_store %arg10[%swap3A_270, %swap3A_271], %broadcast_in_dim3A_3 {strides = array<i32>} : memref<128x128xf32, #tpu.memory_space<vmem>>, vector<16xf32>,
      %swap3A_273 = arith.index_cast %scan3A_261 : i32 to index
      %swap3A_274 = arith.constant 64 : index
      %swap3A_275 = tpu.vector_load %arg10[%swap3A_273, %swap3A_274] {strides = array<i32>} : memref<128x128xf32, #tpu.memory_space<vmem>>, vector<16xf32>,
      tpu.vector_store %arg10[%swap3A_273, %swap3A_274], %broadcast_in_dim3A_3 {strides = array<i32>} : memref<128x128xf32, #tpu.memory_space<vmem>>, vector<16xf32>,
      %swap3A_276 = arith.index_cast %scan3A_261 : i32 to index
      %swap3A_277 = arith.constant 80 : index
      %swap3A_278 = tpu.vector_load %arg10[%swap3A_276, %swap3A_277] {strides = array<i32>} : memref<128x128xf32, #tpu.memory_space<vmem>>, vector<16xf32>,
      tpu.vector_store %arg10[%swap3A_276, %swap3A_277], %broadcast_in_dim3A_3 {strides = array<i32>} : memref<128x128xf32, #tpu.memory_space<vmem>>, vector<16xf32>,
      %swap3A_279 = arith.index_cast %scan3A_261 : i32 to index
      %swap3A_280 = arith.constant 96 : index
      %swap3A_281 = tpu.vector_load %arg10[%swap3A_279, %swap3A_280] {strides = array<i32>} : memref<128x128xf32, #tpu.memory_space<vmem>>, vector<16xf32>,
      tpu.vector_store %arg10[%swap3A_279, %swap3A_280], %broadcast_in_dim3A_3 {strides = array<i32>} : memref<128x128xf32, #tpu.memory_space<vmem>>, vector<16xf32>,
      %swap3A_282 = arith.index_cast %scan3A_261 : i32 to index
      %swap3A_283 = arith.constant 112 : index
      %swap3A_284 = tpu.vector_load %arg10[%swap3A_282, %swap3A_283] {strides = array<i32>} : memref<128x128xf32, #tpu.memory_space<vmem>>, vector<16xf32>,
      tpu.vector_store %arg10[%swap3A_282, %swap3A_283], %broadcast_in_dim3A_3 {strides = array<i32>} : memref<128x128xf32, #tpu.memory_space<vmem>>, vector<16xf32>,
    }
    %scan3A_8 = arith.constant 128 : i32
    %mul3A_9 = arith.constant 625 : i32
    %mul3A_10 = arith.muli %arg1, %mul3A_9 : i32
    %add3A_11 = arith.constant 0 : i32
    %add3A_12 = arith.addi %mul3A_10, %add3A_11 : i32
    %dma_start3A = arith.constant 0 : i32
    %dma_start3A_13 = arith.constant 0 : i32
    %dma_start3A_14 = tpu.memref_slice %arg10[%dma_start3A, %dma_start3A_13] : memref<128x128xf32, #tpu.memory_space<vmem>> -> memref<128x128xf32, #tpu.memory_space<vmem>>
    %dma_start3A_15 = arith.constant 0 : i32
    %dma_start3A_16 = tpu.memref_slice %arg12[%add3A_12, %dma_start3A_15] : memref<10000x128xf32, #tpu.memory_space<vmem_shared>> -> memref<128x128xf32, #tpu.memory_space<vmem_shared>>
    %dma_start3A_17 = arith.constant 0 : i32
    %dma_start3A_18 = tpu.memref_slice %arg12[%add3A_12, %dma_start3A_17] : memref<10000x128xf32, #tpu.memory_space<vmem_shared>> -> memref<128x128xf32, #tpu.memory_space<vmem_shared>>
    %dma_start3A_19 = arith.constant 0 : i32
    %dma_start3A_20 = arith.constant 0 : i32
    %dma_start3A_21 = tpu.memref_slice %arg10[%dma_start3A_19, %dma_start3A_20] : memref<128x128xf32, #tpu.memory_space<vmem>> -> memref<128x128xf32, #tpu.memory_space<vmem>>
    tpu.enqueue_dma source(%dma_start3A_21 : memref<128x128xf32, #tpu.memory_space<vmem>>) target(%dma_start3A_18 : memref<128x128xf32, #tpu.memory_space<vmem_shared>>) target_semaphore(%arg17 : memref<!tpu.dma_semaphore, #tpu.memory_space<semaphore_mem>>)
    %mul3A_22 = arith.constant 625 : i32
    %mul3A_23 = arith.muli %arg1, %mul3A_22 : i32
    %add3A_24 = arith.constant 128 : i32
    %add3A_25 = arith.addi %mul3A_23, %add3A_24 : i32
    %dma_start3A_26 = arith.constant 0 : i32
    %dma_start3A_27 = arith.constant 0 : i32
    %dma_start3A_28 = tpu.memref_slice %arg10[%dma_start3A_26, %dma_start3A_27] : memref<128x128xf32, #tpu.memory_space<vmem>> -> memref<128x128xf32, #tpu.memory_space<vmem>>
    %dma_start3A_29 = arith.constant 0 : i32
    %dma_start3A_30 = tpu.memref_slice %arg12[%add3A_25, %dma_start3A_29] : memref<10000x128xf32, #tpu.memory_space<vmem_shared>> -> memref<128x128xf32, #tpu.memory_space<vmem_shared>>
    %dma_start3A_31 = arith.constant 0 : i32
    %dma_start3A_32 = tpu.memref_slice %arg12[%add3A_25, %dma_start3A_31] : memref<10000x128xf32, #tpu.memory_space<vmem_shared>> -> memref<128x128xf32, #tpu.memory_space<vmem_shared>>
    %dma_start3A_33 = arith.constant 0 : i32
    %dma_start3A_34 = arith.constant 0 : i32
    %dma_start3A_35 = tpu.memref_slice %arg10[%dma_start3A_33, %dma_start3A_34] : memref<128x128xf32, #tpu.memory_space<vmem>> -> memref<128x128xf32, #tpu.memory_space<vmem>>
    tpu.enqueue_dma source(%dma_start3A_35 : memref<128x128xf32, #tpu.memory_space<vmem>>) target(%dma_start3A_32 : memref<128x128xf32, #tpu.memory_space<vmem_shared>>) target_semaphore(%arg17 : memref<!tpu.dma_semaphore, #tpu.memory_space<semaphore_mem>>)
    %mul3A_36 = arith.constant 625 : i32
    %mul3A_37 = arith.muli %arg1, %mul3A_36 : i32
    %add3A_38 = arith.constant 256 : i32
    %add3A_39 = arith.addi %mul3A_37, %add3A_38 : i32
    %dma_start3A_40 = arith.constant 0 : i32
    %dma_start3A_41 = arith.constant 0 : i32
    %dma_start3A_42 = tpu.memref_slice %arg10[%dma_start3A_40, %dma_start3A_41] : memref<128x128xf32, #tpu.memory_space<vmem>> -> memref<128x128xf32, #tpu.memory_space<vmem>>
    %dma_start3A_43 = arith.constant 0 : i32
    %dma_start3A_44 = tpu.memref_slice %arg12[%add3A_39, %dma_start3A_43] : memref<10000x128xf32, #tpu.memory_space<vmem_shared>> -> memref<128x128xf32, #tpu.memory_space<vmem_shared>>
    %dma_start3A_45 = arith.constant 0 : i32
    %dma_start3A_46 = tpu.memref_slice %arg12[%add3A_39, %dma_start3A_45] : memref<10000x128xf32, #tpu.memory_space<vmem_shared>> -> memref<128x128xf32, #tpu.memory_space<vmem_shared>>
    %dma_start3A_47 = arith.constant 0 : i32
    %dma_start3A_48 = arith.constant 0 : i32
    %dma_start3A_49 = tpu.memref_slice %arg10[%dma_start3A_47, %dma_start3A_48] : memref<128x128xf32, #tpu.memory_space<vmem>> -> memref<128x128xf32, #tpu.memory_space<vmem>>
    tpu.enqueue_dma source(%dma_start3A_49 : memref<128x128xf32, #tpu.memory_space<vmem>>) target(%dma_start3A_46 : memref<128x128xf32, #tpu.memory_space<vmem_shared>>) target_semaphore(%arg17 : memref<!tpu.dma_semaphore, #tpu.memory_space<semaphore_mem>>)
    %mul3A_50 = arith.constant 625 : i32
    %mul3A_51 = arith.muli %arg1, %mul3A_50 : i32
    %add3A_52 = arith.constant 384 : i32
    %add3A_53 = arith.addi %mul3A_51, %add3A_52 : i32
    %dma_start3A_54 = arith.constant 0 : i32
    %dma_start3A_55 = arith.constant 0 : i32
    %dma_start3A_56 = tpu.memref_slice %arg10[%dma_start3A_54, %dma_start3A_55] : memref<128x128xf32, #tpu.memory_space<vmem>> -> memref<128x128xf32, #tpu.memory_space<vmem>>
    %dma_start3A_57 = arith.constant 0 : i32
    %dma_start3A_58 = tpu.memref_slice %arg12[%add3A_53, %dma_start3A_57] : memref<10000x128xf32, #tpu.memory_space<vmem_shared>> -> memref<128x128xf32, #tpu.memory_space<vmem_shared>>
    %dma_start3A_59 = arith.constant 0 : i32
    %dma_start3A_60 = tpu.memref_slice %arg12[%add3A_53, %dma_start3A_59] : memref<10000x128xf32, #tpu.memory_space<vmem_shared>> -> memref<128x128xf32, #tpu.memory_space<vmem_shared>>
    %dma_start3A_61 = arith.constant 0 : i32
    %dma_start3A_62 = arith.constant 0 : i32
    %dma_start3A_63 = tpu.memref_slice %arg10[%dma_start3A_61, %dma_start3A_62] : memref<128x128xf32, #tpu.memory_space<vmem>> -> memref<128x128xf32, #tpu.memory_space<vmem>>
    tpu.enqueue_dma source(%dma_start3A_63 : memref<128x128xf32, #tpu.memory_space<vmem>>) target(%dma_start3A_60 : memref<128x128xf32, #tpu.memory_space<vmem_shared>>) target_semaphore(%arg17 : memref<!tpu.dma_semaphore, #tpu.memory_space<semaphore_mem>>)
    %mul3A_64 = arith.constant 625 : i32
    %mul3A_65 = arith.muli %arg1, %mul3A_64 : i32
    %add3A_66 = arith.constant 512 : i32
    %add3A_67 = arith.addi %mul3A_65, %add3A_66 : i32
    %dma_start3A_68 = arith.constant 0 : i32
    %dma_start3A_69 = arith.constant 0 : i32
    %dma_start3A_70 = tpu.memref_slice %arg10[%dma_start3A_68, %dma_start3A_69] : memref<128x128xf32, #tpu.memory_space<vmem>> -> memref<113x128xf32, #tpu.memory_space<vmem>>
    %dma_start3A_71 = arith.constant 0 : i32
    %dma_start3A_72 = tpu.memref_slice %arg12[%add3A_67, %dma_start3A_71] : memref<10000x128xf32, #tpu.memory_space<vmem_shared>> -> memref<113x128xf32, #tpu.memory_space<vmem_shared>>
    %dma_start3A_73 = arith.constant 0 : i32
    %dma_start3A_74 = tpu.memref_slice %arg12[%add3A_67, %dma_start3A_73] : memref<10000x128xf32, #tpu.memory_space<vmem_shared>> -> memref<113x128xf32, #tpu.memory_space<vmem_shared>>
    %dma_start3A_75 = arith.constant 0 : i32
    %dma_start3A_76 = arith.constant 0 : i32
    %dma_start3A_77 = tpu.memref_slice %arg10[%dma_start3A_75, %dma_start3A_76] : memref<128x128xf32, #tpu.memory_space<vmem>> -> memref<113x128xf32, #tpu.memory_space<vmem>>
    tpu.enqueue_dma source(%dma_start3A_77 : memref<113x128xf32, #tpu.memory_space<vmem>>) target(%dma_start3A_74 : memref<113x128xf32, #tpu.memory_space<vmem_shared>>) target_semaphore(%arg17 : memref<!tpu.dma_semaphore, #tpu.memory_space<semaphore_mem>>)
    %dma_start3A_78 = tpu.memref_slice %arg3[%mul3A_2] : memref<320000xi32, #tpu.memory_space<hbm>> -> memref<10000xi32, #tpu.memory_space<hbm>>
    %dma_start3A_79 = tpu.memref_slice %arg3[%mul3A_2] : memref<320000xi32, #tpu.memory_space<hbm>> -> memref<10000xi32, #tpu.memory_space<hbm>>
    tpu.enqueue_dma source(%dma_start3A_79 : memref<10000xi32, #tpu.memory_space<hbm>>) target(%arg6 : memref<10000xi32, #tpu.memory_space<vmem>>) target_semaphore(%arg18 : memref<!tpu.dma_semaphore, #tpu.memory_space<semaphore_mem>>)
    %add3A_80 = arith.constant 0 : i32
    %add3A_81 = arith.addi %mul3A_2, %add3A_80 : i32
    %dma_start3A_82 = tpu.memref_slice %arg4[%add3A_81] : memref<320000xi32, #tpu.memory_space<hbm>> -> memref<128xi32, #tpu.memory_space<hbm>>
    %dma_start3A_83 = tpu.memref_slice %arg4[%add3A_81] : memref<320000xi32, #tpu.memory_space<hbm>> -> memref<128xi32, #tpu.memory_space<hbm>>
    tpu.enqueue_dma source(%dma_start3A_83 : memref<128xi32, #tpu.memory_space<hbm>>) target(%arg7 : memref<128xi32, #tpu.memory_space<vmem>>) target_semaphore(%arg15 : memref<!tpu.dma_semaphore, #tpu.memory_space<semaphore_mem>>)
    %add3A_84 = arith.constant 128 : i32
    %add3A_85 = arith.addi %mul3A_2, %add3A_84 : i32
    %dma_start3A_86 = tpu.memref_slice %arg4[%add3A_85] : memref<320000xi32, #tpu.memory_space<hbm>> -> memref<128xi32, #tpu.memory_space<hbm>>
    %dma_start3A_87 = tpu.memref_slice %arg4[%add3A_85] : memref<320000xi32, #tpu.memory_space<hbm>> -> memref<128xi32, #tpu.memory_space<hbm>>
    tpu.enqueue_dma source(%dma_start3A_87 : memref<128xi32, #tpu.memory_space<hbm>>) target(%arg8 : memref<128xi32, #tpu.memory_space<vmem>>) target_semaphore(%arg16 : memref<!tpu.dma_semaphore, #tpu.memory_space<semaphore_mem>>)
    %dma_wait3A = arith.constant 0 : i32
    %dma_wait3A_88 = arith.constant 0 : i32
    %dma_wait3A_89 = tpu.memref_slice %arg10[%dma_wait3A, %dma_wait3A_88] : memref<128x128xf32, #tpu.memory_space<vmem>> -> memref<128x128xf32, #tpu.memory_space<vmem>>
    %dma_wait3A_90 = arith.constant 0 : i32
    %dma_wait3A_91 = arith.constant 0 : i32
    %dma_wait3A_92 = tpu.memref_slice %arg2[%dma_wait3A_90, %dma_wait3A_91] : memref<10000x128xf32, #tpu.memory_space<hbm>> -> memref<128x128xf32, #tpu.memory_space<hbm>>
    %dma_wait3A_93 = arith.constant 0 : i32
    %dma_wait3A_94 = arith.constant 0 : i32
    %dma_wait3A_95 = tpu.memref_slice %arg10[%dma_wait3A_93, %dma_wait3A_94] : memref<128x128xf32, #tpu.memory_space<vmem>> -> memref<128x128xf32, #tpu.memory_space<vmem>>
    %dma_wait3A_96 = arith.constant 0 : i32
    %dma_wait3A_97 = arith.constant 0 : i32
    %dma_wait3A_98 = tpu.memref_slice %arg2[%dma_wait3A_96, %dma_wait3A_97] : memref<10000x128xf32, #tpu.memory_space<hbm>> -> memref<128x128xf32, #tpu.memory_space<hbm>>
    tpu.wait_dma2 semaphore(%arg17 : memref<!tpu.dma_semaphore, #tpu.memory_space<semaphore_mem>>) src(%dma_wait3A_98 : memref<128x128xf32, #tpu.memory_space<hbm>>) dst(%dma_wait3A_95 : memref<128x128xf32, #tpu.memory_space<vmem>>)
    %dma_wait3A_99 = arith.constant 0 : i32
    %dma_wait3A_100 = arith.constant 0 : i32
    %dma_wait3A_101 = tpu.memref_slice %arg10[%dma_wait3A_99, %dma_wait3A_100] : memref<128x128xf32, #tpu.memory_space<vmem>> -> memref<128x128xf32, #tpu.memory_space<vmem>>
    %dma_wait3A_102 = arith.constant 0 : i32
    %dma_wait3A_103 = arith.constant 0 : i32
    %dma_wait3A_104 = tpu.memref_slice %arg2[%dma_wait3A_102, %dma_wait3A_103] : memref<10000x128xf32, #tpu.memory_space<hbm>> -> memref<128x128xf32, #tpu.memory_space<hbm>>
    %dma_wait3A_105 = arith.constant 0 : i32
    %dma_wait3A_106 = arith.constant 0 : i32
    %dma_wait3A_107 = tpu.memref_slice %arg10[%dma_wait3A_105, %dma_wait3A_106] : memref<128x128xf32, #tpu.memory_space<vmem>> -> memref<128x128xf32, #tpu.memory_space<vmem>>
    %dma_wait3A_108 = arith.constant 0 : i32
    %dma_wait3A_109 = arith.constant 0 : i32
    %dma_wait3A_110 = tpu.memref_slice %arg2[%dma_wait3A_108, %dma_wait3A_109] : memref<10000x128xf32, #tpu.memory_space<hbm>> -> memref<128x128xf32, #tpu.memory_space<hbm>>
    tpu.wait_dma2 semaphore(%arg17 : memref<!tpu.dma_semaphore, #tpu.memory_space<semaphore_mem>>) src(%dma_wait3A_110 : memref<128x128xf32, #tpu.memory_space<hbm>>) dst(%dma_wait3A_107 : memref<128x128xf32, #tpu.memory_space<vmem>>)
    %dma_wait3A_111 = arith.constant 0 : i32
    %dma_wait3A_112 = arith.constant 0 : i32
    %dma_wait3A_113 = tpu.memref_slice %arg10[%dma_wait3A_111, %dma_wait3A_112] : memref<128x128xf32, #tpu.memory_space<vmem>> -> memref<128x128xf32, #tpu.memory_space<vmem>>
    %dma_wait3A_114 = arith.constant 0 : i32
    %dma_wait3A_115 = arith.constant 0 : i32
    %dma_wait3A_116 = tpu.memref_slice %arg2[%dma_wait3A_114, %dma_wait3A_115] : memref<10000x128xf32, #tpu.memory_space<hbm>> -> memref<128x128xf32, #tpu.memory_space<hbm>>
    %dma_wait3A_117 = arith.constant 0 : i32
    %dma_wait3A_118 = arith.constant 0 : i32
    %dma_wait3A_119 = tpu.memref_slice %arg10[%dma_wait3A_117, %dma_wait3A_118] : memref<128x128xf32, #tpu.memory_space<vmem>> -> memref<128x128xf32, #tpu.memory_space<vmem>>
    %dma_wait3A_120 = arith.constant 0 : i32
    %dma_wait3A_121 = arith.constant 0 : i32
    %dma_wait3A_122 = tpu.memref_slice %arg2[%dma_wait3A_120, %dma_wait3A_121] : memref<10000x128xf32, #tpu.memory_space<hbm>> -> memref<128x128xf32, #tpu.memory_space<hbm>>
    tpu.wait_dma2 semaphore(%arg17 : memref<!tpu.dma_semaphore, #tpu.memory_space<semaphore_mem>>) src(%dma_wait3A_122 : memref<128x128xf32, #tpu.memory_space<hbm>>) dst(%dma_wait3A_119 : memref<128x128xf32, #tpu.memory_space<vmem>>)
    %dma_wait3A_123 = arith.constant 0 : i32
    %dma_wait3A_124 = arith.constant 0 : i32
    %dma_wait3A_125 = tpu.memref_slice %arg10[%dma_wait3A_123, %dma_wait3A_124] : memref<128x128xf32, #tpu.memory_space<vmem>> -> memref<128x128xf32, #tpu.memory_space<vmem>>
    %dma_wait3A_126 = arith.constant 0 : i32
    %dma_wait3A_127 = arith.constant 0 : i32
    %dma_wait3A_128 = tpu.memref_slice %arg2[%dma_wait3A_126, %dma_wait3A_127] : memref<10000x128xf32, #tpu.memory_space<hbm>> -> memref<128x128xf32, #tpu.memory_space<hbm>>
    %dma_wait3A_129 = arith.constant 0 : i32
    %dma_wait3A_130 = arith.constant 0 : i32
    %dma_wait3A_131 = tpu.memref_slice %arg10[%dma_wait3A_129, %dma_wait3A_130] : memref<128x128xf32, #tpu.memory_space<vmem>> -> memref<128x128xf32, #tpu.memory_space<vmem>>
    %dma_wait3A_132 = arith.constant 0 : i32
    %dma_wait3A_133 = arith.constant 0 : i32
    %dma_wait3A_134 = tpu.memref_slice %arg2[%dma_wait3A_132, %dma_wait3A_133] : memref<10000x128xf32, #tpu.memory_space<hbm>> -> memref<128x128xf32, #tpu.memory_space<hbm>>
    tpu.wait_dma2 semaphore(%arg17 : memref<!tpu.dma_semaphore, #tpu.memory_space<semaphore_mem>>) src(%dma_wait3A_134 : memref<128x128xf32, #tpu.memory_space<hbm>>) dst(%dma_wait3A_131 : memref<128x128xf32, #tpu.memory_space<vmem>>)
    %dma_wait3A_135 = arith.constant 0 : i32
    %dma_wait3A_136 = arith.constant 0 : i32
    %dma_wait3A_137 = tpu.memref_slice %arg10[%dma_wait3A_135, %dma_wait3A_136] : memref<128x128xf32, #tpu.memory_space<vmem>> -> memref<113x128xf32, #tpu.memory_space<vmem>>
    %dma_wait3A_138 = arith.constant 0 : i32
    %dma_wait3A_139 = arith.constant 0 : i32
    %dma_wait3A_140 = tpu.memref_slice %arg2[%dma_wait3A_138, %dma_wait3A_139] : memref<10000x128xf32, #tpu.memory_space<hbm>> -> memref<113x128xf32, #tpu.memory_space<hbm>>
    %dma_wait3A_141 = arith.constant 0 : i32
    %dma_wait3A_142 = arith.constant 0 : i32
    %dma_wait3A_143 = tpu.memref_slice %arg10[%dma_wait3A_141, %dma_wait3A_142] : memref<128x128xf32, #tpu.memory_space<vmem>> -> memref<113x128xf32, #tpu.memory_space<vmem>>
    %dma_wait3A_144 = arith.constant 0 : i32
    %dma_wait3A_145 = arith.constant 0 : i32
    %dma_wait3A_146 = tpu.memref_slice %arg2[%dma_wait3A_144, %dma_wait3A_145] : memref<10000x128xf32, #tpu.memory_space<hbm>> -> memref<113x128xf32, #tpu.memory_space<hbm>>
    tpu.wait_dma2 semaphore(%arg17 : memref<!tpu.dma_semaphore, #tpu.memory_space<semaphore_mem>>) src(%dma_wait3A_146 : memref<113x128xf32, #tpu.memory_space<hbm>>) dst(%dma_wait3A_143 : memref<113x128xf32, #tpu.memory_space<vmem>>)
    %barrier3A = arith.constant 0 : index
    tpu.barrier barrier_id(%barrier3A)
    %dma_wait3A_147 = arith.constant 0 : i32
    %dma_wait3A_148 = tpu.memref_slice %arg3[%dma_wait3A_147] : memref<320000xi32, #tpu.memory_space<hbm>> -> memref<10000xi32, #tpu.memory_space<hbm>>
    %dma_wait3A_149 = arith.constant 0 : i32
    %dma_wait3A_150 = tpu.memref_slice %arg3[%dma_wait3A_149] : memref<320000xi32, #tpu.memory_space<hbm>> -> memref<10000xi32, #tpu.memory_space<hbm>>
    tpu.wait_dma2 semaphore(%arg18 : memref<!tpu.dma_semaphore, #tpu.memory_space<semaphore_mem>>) src(%dma_wait3A_150 : memref<10000xi32, #tpu.memory_space<hbm>>) dst(%arg6 : memref<10000xi32, #tpu.memory_space<vmem>>)
    %dma_start3A_151 = arith.constant 0 : i32
    %dma_start3A_152 = tpu.memref_slice %arg6[%dma_start3A_151] : memref<10000xi32, #tpu.memory_space<vmem>> -> memref<128xi32, #tpu.memory_space<vmem>>
    %dma_start3A_153 = arith.constant 0 : i32
    %dma_start3A_154 = arith.constant 0 : i32
    %dma_start3A_155 = tpu.memref_slice %arg2[%dma_start3A_153, %dma_start3A_154] : memref<10000x128xf32, #tpu.memory_space<hbm>> -> memref<10000x128xf32, #tpu.memory_space<hbm>>
    tpu.enqueue_indirect_dma source(%dma_start3A_155 : memref<10000x128xf32, #tpu.memory_space<hbm>>) target(%arg10 : memref<128x128xf32, #tpu.memory_space<vmem>>) offsets(%dma_start3A_152 : memref<128xi32, #tpu.memory_space<vmem>>) semaphore(%arg13 : memref<!tpu.dma_semaphore, #tpu.memory_space<semaphore_mem>>)
    %dma_start3A_156 = arith.constant 128 : i32
    %dma_start3A_157 = tpu.memref_slice %arg6[%dma_start3A_156] : memref<10000xi32, #tpu.memory_space<vmem>> -> memref<128xi32, #tpu.memory_space<vmem>>
    %dma_start3A_158 = arith.constant 0 : i32
    %dma_start3A_159 = arith.constant 0 : i32
    %dma_start3A_160 = tpu.memref_slice %arg2[%dma_start3A_158, %dma_start3A_159] : memref<10000x128xf32, #tpu.memory_space<hbm>> -> memref<10000x128xf32, #tpu.memory_space<hbm>>
    tpu.enqueue_indirect_dma source(%dma_start3A_160 : memref<10000x128xf32, #tpu.memory_space<hbm>>) target(%arg11 : memref<128x128xf32, #tpu.memory_space<vmem>>) offsets(%dma_start3A_157 : memref<128xi32, #tpu.memory_space<vmem>>) semaphore(%arg14 : memref<!tpu.dma_semaphore, #tpu.memory_space<semaphore_mem>>)
    %scan3A_161 = arith.constant 0 : i32
    %scan3A_162 = arith.constant 0 : i32
    %scan3A_163 = arith.constant 37 : i32
    %scan3A_164 = arith.addi %scan3A_162, %scan3A_163 : i32
    %scan3A_165 = arith.constant 1 : i32
    scf.for %scan3A_261 = %scan3A_162 to %scan3A_164 step %scan3A_165  : i32 {
      %mul3A_262 = arith.constant 2 : i32
      %mul3A_263 = arith.muli %scan3A_261, %mul3A_262 : i32
      %add3A_264 = arith.constant 0 : i32
      %add3A_265 = arith.addi %mul3A_263, %add3A_264 : i32
      %dma_wait3A_266 = arith.constant 0 : i32
      %dma_wait3A_267 = arith.constant 0 : i32
      %dma_wait3A_268 = tpu.memref_slice %arg2[%dma_wait3A_266, %dma_wait3A_267] : memref<10000x128xf32, #tpu.memory_space<hbm>> -> memref<128x128xf32, #tpu.memory_space<hbm>>
      %dma_wait3A_269 = arith.constant 0 : i32
      %dma_wait3A_270 = arith.constant 0 : i32
      %dma_wait3A_271 = tpu.memref_slice %arg2[%dma_wait3A_269, %dma_wait3A_270] : memref<10000x128xf32, #tpu.memory_space<hbm>> -> memref<128x128xf32, #tpu.memory_space<hbm>>
      tpu.wait_dma2 semaphore(%arg13 : memref<!tpu.dma_semaphore, #tpu.memory_space<semaphore_mem>>) src(%dma_wait3A_271 : memref<128x128xf32, #tpu.memory_space<hbm>>) dst(%arg10 : memref<128x128xf32, #tpu.memory_space<vmem>>)
      %dma_wait3A_272 = arith.constant 0 : i32
      %dma_wait3A_273 = tpu.memref_slice %arg4[%dma_wait3A_272] : memref<320000xi32, #tpu.memory_space<hbm>> -> memref<128xi32, #tpu.memory_space<hbm>>
      %dma_wait3A_274 = arith.constant 0 : i32
      %dma_wait3A_275 = tpu.memref_slice %arg4[%dma_wait3A_274] : memref<320000xi32, #tpu.memory_space<hbm>> -> memref<128xi32, #tpu.memory_space<hbm>>
      tpu.wait_dma2 semaphore(%arg15 : memref<!tpu.dma_semaphore, #tpu.memory_space<semaphore_mem>>) src(%dma_wait3A_275 : memref<128xi32, #tpu.memory_space<hbm>>) dst(%arg7 : memref<128xi32, #tpu.memory_space<vmem>>)
      "tpu.region"() ({
        %run_scoped3A = tpu.sem_alloc : memref<!tpu.dma_semaphore, #tpu.memory_space<semaphore_mem>>
        %dma_start3A_320 = arith.constant 0 : i32
        %dma_start3A_321 = arith.constant 0 : i32
        %dma_start3A_322 = tpu.memref_slice %arg12[%dma_start3A_320, %dma_start3A_321] : memref<10000x128xf32, #tpu.memory_space<vmem_shared>> -> memref<10000x128xf32, #tpu.memory_space<vmem_shared>>
        tpu.enqueue_indirect_dma source(%arg10 : memref<128x128xf32, #tpu.memory_space<vmem>>) target(%dma_start3A_322 : memref<10000x128xf32, #tpu.memory_space<vmem_shared>>) offsets(%arg7 : memref<128xi32, #tpu.memory_space<vmem>>) semaphore(%run_scoped3A : memref<!tpu.dma_semaphore, #tpu.memory_space<semaphore_mem>>) {add = true}
        %dma_wait3A_323 = arith.constant 0 : i32
        %dma_wait3A_324 = arith.constant 0 : i32
        %dma_wait3A_325 = tpu.memref_slice %arg12[%dma_wait3A_323, %dma_wait3A_324] : memref<10000x128xf32, #tpu.memory_space<vmem_shared>> -> memref<10000x128xf32, #tpu.memory_space<vmem_shared>>
        tpu.wait_indirect_dma semaphore(%run_scoped3A : memref<!tpu.dma_semaphore, #tpu.memory_space<semaphore_mem>>) src(%arg10 : memref<128x128xf32, #tpu.memory_space<vmem>>) dst(%dma_wait3A_325 : memref<10000x128xf32, #tpu.memory_space<vmem_shared>>)
        tpu.yield
      }) : () -> ()
      %add3A_276 = arith.constant 2 : i32
      %add3A_277 = arith.addi %add3A_265, %add3A_276 : i32
      %mul3A_278 = arith.constant 128 : i32
      %mul3A_279 = arith.muli %add3A_277, %mul3A_278 : i32
      %add3A_280 = arith.addi %mul3A_2, %mul3A_279 : i32
      %dma_start3A_281 = tpu.memref_slice %arg4[%add3A_280] : memref<320000xi32, #tpu.memory_space<hbm>> -> memref<128xi32, #tpu.memory_space<hbm>>
      %dma_start3A_282 = tpu.memref_slice %arg4[%add3A_280] : memref<320000xi32, #tpu.memory_space<hbm>> -> memref<128xi32, #tpu.memory_space<hbm>>
      tpu.enqueue_dma source(%dma_start3A_282 : memref<128xi32, #tpu.memory_space<hbm>>) target(%arg7 : memref<128xi32, #tpu.memory_space<vmem>>) target_semaphore(%arg15 : memref<!tpu.dma_semaphore, #tpu.memory_space<semaphore_mem>>)
      %add3A_283 = arith.constant 2 : i32
      %add3A_284 = arith.addi %add3A_265, %add3A_283 : i32
      %mul3A_285 = arith.constant 128 : i32
      %mul3A_286 = arith.muli %add3A_284, %mul3A_285 : i32
      %dma_start3A_287 = tpu.memref_slice %arg6[%mul3A_286] : memref<10000xi32, #tpu.memory_space<vmem>> -> memref<128xi32, #tpu.memory_space<vmem>>
      %dma_start3A_288 = arith.constant 0 : i32
      %dma_start3A_289 = arith.constant 0 : i32
      %dma_start3A_290 = tpu.memref_slice %arg2[%dma_start3A_288, %dma_start3A_289] : memref<10000x128xf32, #tpu.memory_space<hbm>> -> memref<10000x128xf32, #tpu.memory_space<hbm>>
      tpu.enqueue_indirect_dma source(%dma_start3A_290 : memref<10000x128xf32, #tpu.memory_space<hbm>>) target(%arg10 : memref<128x128xf32, #tpu.memory_space<vmem>>) offsets(%dma_start3A_287 : memref<128xi32, #tpu.memory_space<vmem>>) semaphore(%arg13 : memref<!tpu.dma_semaphore, #tpu.memory_space<semaphore_mem>>)
      %mul3A_291 = arith.constant 2 : i32
      %mul3A_292 = arith.muli %scan3A_261, %mul3A_291 : i32
      %add3A_293 = arith.constant 1 : i32
      %add3A_294 = arith.addi %mul3A_292, %add3A_293 : i32
      %dma_wait3A_295 = arith.constant 0 : i32
      %dma_wait3A_296 = arith.constant 0 : i32
      %dma_wait3A_297 = tpu.memref_slice %arg2[%dma_wait3A_295, %dma_wait3A_296] : memref<10000x128xf32, #tpu.memory_space<hbm>> -> memref<128x128xf32, #tpu.memory_space<hbm>>
      %dma_wait3A_298 = arith.constant 0 : i32
      %dma_wait3A_299 = arith.constant 0 : i32
      %dma_wait3A_300 = tpu.memref_slice %arg2[%dma_wait3A_298, %dma_wait3A_299] : memref<10000x128xf32, #tpu.memory_space<hbm>> -> memref<128x128xf32, #tpu.memory_space<hbm>>
      tpu.wait_dma2 semaphore(%arg14 : memref<!tpu.dma_semaphore, #tpu.memory_space<semaphore_mem>>) src(%dma_wait3A_300 : memref<128x128xf32, #tpu.memory_space<hbm>>) dst(%arg11 : memref<128x128xf32, #tpu.memory_space<vmem>>)
      %dma_wait3A_301 = arith.constant 0 : i32
      %dma_wait3A_302 = tpu.memref_slice %arg4[%dma_wait3A_301] : memref<320000xi32, #tpu.memory_space<hbm>> -> memref<128xi32, #tpu.memory_space<hbm>>
      %dma_wait3A_303 = arith.constant 0 : i32
      %dma_wait3A_304 = tpu.memref_slice %arg4[%dma_wait3A_303] : memref<320000xi32, #tpu.memory_space<hbm>> -> memref<128xi32, #tpu.memory_space<hbm>>
      tpu.wait_dma2 semaphore(%arg16 : memref<!tpu.dma_semaphore, #tpu.memory_space<semaphore_mem>>) src(%dma_wait3A_304 : memref<128xi32, #tpu.memory_space<hbm>>) dst(%arg8 : memref<128xi32, #tpu.memory_space<vmem>>)
      "tpu.region"() ({
        %run_scoped3A = tpu.sem_alloc : memref<!tpu.dma_semaphore, #tpu.memory_space<semaphore_mem>>
        %dma_start3A_320 = arith.constant 0 : i32
        %dma_start3A_321 = arith.constant 0 : i32
        %dma_start3A_322 = tpu.memref_slice %arg12[%dma_start3A_320, %dma_start3A_321] : memref<10000x128xf32, #tpu.memory_space<vmem_shared>> -> memref<10000x128xf32, #tpu.memory_space<vmem_shared>>
        tpu.enqueue_indirect_dma source(%arg11 : memref<128x128xf32, #tpu.memory_space<vmem>>) target(%dma_start3A_322 : memref<10000x128xf32, #tpu.memory_space<vmem_shared>>) offsets(%arg8 : memref<128xi32, #tpu.memory_space<vmem>>) semaphore(%run_scoped3A : memref<!tpu.dma_semaphore, #tpu.memory_space<semaphore_mem>>) {add = true}
        %dma_wait3A_323 = arith.constant 0 : i32
        %dma_wait3A_324 = arith.constant 0 : i32
        %dma_wait3A_325 = tpu.memref_slice %arg12[%dma_wait3A_323, %dma_wait3A_324] : memref<10000x128xf32, #tpu.memory_space<vmem_shared>> -> memref<10000x128xf32, #tpu.memory_space<vmem_shared>>
        tpu.wait_indirect_dma semaphore(%run_scoped3A : memref<!tpu.dma_semaphore, #tpu.memory_space<semaphore_mem>>) src(%arg11 : memref<128x128xf32, #tpu.memory_space<vmem>>) dst(%dma_wait3A_325 : memref<10000x128xf32, #tpu.memory_space<vmem_shared>>)
        tpu.yield
      }) : () -> ()
      %add3A_305 = arith.constant 2 : i32
      %add3A_306 = arith.addi %add3A_294, %add3A_305 : i32
      %mul3A_307 = arith.constant 128 : i32
      %mul3A_308 = arith.muli %add3A_306, %mul3A_307 : i32
      %add3A_309 = arith.addi %mul3A_2, %mul3A_308 : i32
      %dma_start3A_310 = tpu.memref_slice %arg4[%add3A_309] : memref<320000xi32, #tpu.memory_space<hbm>> -> memref<128xi32, #tpu.memory_space<hbm>>
      %dma_start3A_311 = tpu.memref_slice %arg4[%add3A_309] : memref<320000xi32, #tpu.memory_space<hbm>> -> memref<128xi32, #tpu.memory_space<hbm>>
      tpu.enqueue_dma source(%dma_start3A_311 : memref<128xi32, #tpu.memory_space<hbm>>) target(%arg8 : memref<128xi32, #tpu.memory_space<vmem>>) target_semaphore(%arg16 : memref<!tpu.dma_semaphore, #tpu.memory_space<semaphore_mem>>)
      %add3A_312 = arith.constant 2 : i32
      %add3A_313 = arith.addi %add3A_294, %add3A_312 : i32
      %mul3A_314 = arith.constant 128 : i32
      %mul3A_315 = arith.muli %add3A_313, %mul3A_314 : i32
      %dma_start3A_316 = tpu.memref_slice %arg6[%mul3A_315] : memref<10000xi32, #tpu.memory_space<vmem>> -> memref<128xi32, #tpu.memory_space<vmem>>
      %dma_start3A_317 = arith.constant 0 : i32
      %dma_start3A_318 = arith.constant 0 : i32
      %dma_start3A_319 = tpu.memref_slice %arg2[%dma_start3A_317, %dma_start3A_318] : memref<10000x128xf32, #tpu.memory_space<hbm>> -> memref<10000x128xf32, #tpu.memory_space<hbm>>
      tpu.enqueue_indirect_dma source(%dma_start3A_319 : memref<10000x128xf32, #tpu.memory_space<hbm>>) target(%arg11 : memref<128x128xf32, #tpu.memory_space<vmem>>) offsets(%dma_start3A_316 : memref<128xi32, #tpu.memory_space<vmem>>) semaphore(%arg14 : memref<!tpu.dma_semaphore, #tpu.memory_space<semaphore_mem>>)
    }
    %scan3A_166 = arith.constant 37 : i32
    %dma_wait3A_167 = arith.constant 0 : i32
    %dma_wait3A_168 = arith.constant 0 : i32
    %dma_wait3A_169 = tpu.memref_slice %arg2[%dma_wait3A_167, %dma_wait3A_168] : memref<10000x128xf32, #tpu.memory_space<hbm>> -> memref<128x128xf32, #tpu.memory_space<hbm>>
    %dma_wait3A_170 = arith.constant 0 : i32
    %dma_wait3A_171 = arith.constant 0 : i32
    %dma_wait3A_172 = tpu.memref_slice %arg2[%dma_wait3A_170, %dma_wait3A_171] : memref<10000x128xf32, #tpu.memory_space<hbm>> -> memref<128x128xf32, #tpu.memory_space<hbm>>
    tpu.wait_dma2 semaphore(%arg13 : memref<!tpu.dma_semaphore, #tpu.memory_space<semaphore_mem>>) src(%dma_wait3A_172 : memref<128x128xf32, #tpu.memory_space<hbm>>) dst(%arg10 : memref<128x128xf32, #tpu.memory_space<vmem>>)
    %dma_wait3A_173 = arith.constant 0 : i32
    %dma_wait3A_174 = tpu.memref_slice %arg4[%dma_wait3A_173] : memref<320000xi32, #tpu.memory_space<hbm>> -> memref<128xi32, #tpu.memory_space<hbm>>
    %dma_wait3A_175 = arith.constant 0 : i32
    %dma_wait3A_176 = tpu.memref_slice %arg4[%dma_wait3A_175] : memref<320000xi32, #tpu.memory_space<hbm>> -> memref<128xi32, #tpu.memory_space<hbm>>
    tpu.wait_dma2 semaphore(%arg15 : memref<!tpu.dma_semaphore, #tpu.memory_space<semaphore_mem>>) src(%dma_wait3A_176 : memref<128xi32, #tpu.memory_space<hbm>>) dst(%arg7 : memref<128xi32, #tpu.memory_space<vmem>>)
    "tpu.region"() ({
      %run_scoped3A = tpu.sem_alloc : memref<!tpu.dma_semaphore, #tpu.memory_space<semaphore_mem>>
      %dma_start3A_261 = arith.constant 0 : i32
      %dma_start3A_262 = arith.constant 0 : i32
      %dma_start3A_263 = tpu.memref_slice %arg12[%dma_start3A_261, %dma_start3A_262] : memref<10000x128xf32, #tpu.memory_space<vmem_shared>> -> memref<10000x128xf32, #tpu.memory_space<vmem_shared>>
      tpu.enqueue_indirect_dma source(%arg10 : memref<128x128xf32, #tpu.memory_space<vmem>>) target(%dma_start3A_263 : memref<10000x128xf32, #tpu.memory_space<vmem_shared>>) offsets(%arg7 : memref<128xi32, #tpu.memory_space<vmem>>) semaphore(%run_scoped3A : memref<!tpu.dma_semaphore, #tpu.memory_space<semaphore_mem>>) {add = true}
      %dma_wait3A_264 = arith.constant 0 : i32
      %dma_wait3A_265 = arith.constant 0 : i32
      %dma_wait3A_266 = tpu.memref_slice %arg12[%dma_wait3A_264, %dma_wait3A_265] : memref<10000x128xf32, #tpu.memory_space<vmem_shared>> -> memref<10000x128xf32, #tpu.memory_space<vmem_shared>>
      tpu.wait_indirect_dma semaphore(%run_scoped3A : memref<!tpu.dma_semaphore, #tpu.memory_space<semaphore_mem>>) src(%arg10 : memref<128x128xf32, #tpu.memory_space<vmem>>) dst(%dma_wait3A_266 : memref<10000x128xf32, #tpu.memory_space<vmem_shared>>)
      tpu.yield
    }) : () -> ()
    %add3A_177 = arith.constant 9728 : i32
    %add3A_178 = arith.addi %mul3A_2, %add3A_177 : i32
    %dma_start3A_179 = tpu.memref_slice %arg4[%add3A_178] : memref<320000xi32, #tpu.memory_space<hbm>> -> memref<128xi32, #tpu.memory_space<hbm>>
    %dma_start3A_180 = tpu.memref_slice %arg4[%add3A_178] : memref<320000xi32, #tpu.memory_space<hbm>> -> memref<128xi32, #tpu.memory_space<hbm>>
    tpu.enqueue_dma source(%dma_start3A_180 : memref<128xi32, #tpu.memory_space<hbm>>) target(%arg7 : memref<128xi32, #tpu.memory_space<vmem>>) target_semaphore(%arg15 : memref<!tpu.dma_semaphore, #tpu.memory_space<semaphore_mem>>)
    %dma_start3A_181 = arith.constant 9728 : i32
    %dma_start3A_182 = tpu.memref_slice %arg6[%dma_start3A_181] : memref<10000xi32, #tpu.memory_space<vmem>> -> memref<128xi32, #tpu.memory_space<vmem>>
    %dma_start3A_183 = arith.constant 0 : i32
    %dma_start3A_184 = arith.constant 0 : i32
    %dma_start3A_185 = tpu.memref_slice %arg2[%dma_start3A_183, %dma_start3A_184] : memref<10000x128xf32, #tpu.memory_space<hbm>> -> memref<10000x128xf32, #tpu.memory_space<hbm>>
    tpu.enqueue_indirect_dma source(%dma_start3A_185 : memref<10000x128xf32, #tpu.memory_space<hbm>>) target(%arg10 : memref<128x128xf32, #tpu.memory_space<vmem>>) offsets(%dma_start3A_182 : memref<128xi32, #tpu.memory_space<vmem>>) semaphore(%arg13 : memref<!tpu.dma_semaphore, #tpu.memory_space<semaphore_mem>>)
    %dma_wait3A_186 = arith.constant 0 : i32
    %dma_wait3A_187 = arith.constant 0 : i32
    %dma_wait3A_188 = tpu.memref_slice %arg2[%dma_wait3A_186, %dma_wait3A_187] : memref<10000x128xf32, #tpu.memory_space<hbm>> -> memref<128x128xf32, #tpu.memory_space<hbm>>
    %dma_wait3A_189 = arith.constant 0 : i32
    %dma_wait3A_190 = arith.constant 0 : i32
    %dma_wait3A_191 = tpu.memref_slice %arg2[%dma_wait3A_189, %dma_wait3A_190] : memref<10000x128xf32, #tpu.memory_space<hbm>> -> memref<128x128xf32, #tpu.memory_space<hbm>>
    tpu.wait_dma2 semaphore(%arg14 : memref<!tpu.dma_semaphore, #tpu.memory_space<semaphore_mem>>) src(%dma_wait3A_191 : memref<128x128xf32, #tpu.memory_space<hbm>>) dst(%arg11 : memref<128x128xf32, #tpu.memory_space<vmem>>)
    %dma_wait3A_192 = arith.constant 0 : i32
    %dma_wait3A_193 = tpu.memref_slice %arg4[%dma_wait3A_192] : memref<320000xi32, #tpu.memory_space<hbm>> -> memref<128xi32, #tpu.memory_space<hbm>>
    %dma_wait3A_194 = arith.constant 0 : i32
    %dma_wait3A_195 = tpu.memref_slice %arg4[%dma_wait3A_194] : memref<320000xi32, #tpu.memory_space<hbm>> -> memref<128xi32, #tpu.memory_space<hbm>>
    tpu.wait_dma2 semaphore(%arg16 : memref<!tpu.dma_semaphore, #tpu.memory_space<semaphore_mem>>) src(%dma_wait3A_195 : memref<128xi32, #tpu.memory_space<hbm>>) dst(%arg8 : memref<128xi32, #tpu.memory_space<vmem>>)
    "tpu.region"() ({
      %run_scoped3A = tpu.sem_alloc : memref<!tpu.dma_semaphore, #tpu.memory_space<semaphore_mem>>
      %dma_start3A_261 = arith.constant 0 : i32
      %dma_start3A_262 = arith.constant 0 : i32
      %dma_start3A_263 = tpu.memref_slice %arg12[%dma_start3A_261, %dma_start3A_262] : memref<10000x128xf32, #tpu.memory_space<vmem_shared>> -> memref<10000x128xf32, #tpu.memory_space<vmem_shared>>
      tpu.enqueue_indirect_dma source(%arg11 : memref<128x128xf32, #tpu.memory_space<vmem>>) target(%dma_start3A_263 : memref<10000x128xf32, #tpu.memory_space<vmem_shared>>) offsets(%arg8 : memref<128xi32, #tpu.memory_space<vmem>>) semaphore(%run_scoped3A : memref<!tpu.dma_semaphore, #tpu.memory_space<semaphore_mem>>) {add = true}
      %dma_wait3A_264 = arith.constant 0 : i32
      %dma_wait3A_265 = arith.constant 0 : i32
      %dma_wait3A_266 = tpu.memref_slice %arg12[%dma_wait3A_264, %dma_wait3A_265] : memref<10000x128xf32, #tpu.memory_space<vmem_shared>> -> memref<10000x128xf32, #tpu.memory_space<vmem_shared>>
      tpu.wait_indirect_dma semaphore(%run_scoped3A : memref<!tpu.dma_semaphore, #tpu.memory_space<semaphore_mem>>) src(%arg11 : memref<128x128xf32, #tpu.memory_space<vmem>>) dst(%dma_wait3A_266 : memref<10000x128xf32, #tpu.memory_space<vmem_shared>>)
      tpu.yield
    }) : () -> ()
    %add3A_196 = arith.constant 9856 : i32
    %add3A_197 = arith.addi %mul3A_2, %add3A_196 : i32
    %dma_start3A_198 = tpu.memref_slice %arg4[%add3A_197] : memref<320000xi32, #tpu.memory_space<hbm>> -> memref<128xi32, #tpu.memory_space<hbm>>
    %dma_start3A_199 = tpu.memref_slice %arg4[%add3A_197] : memref<320000xi32, #tpu.memory_space<hbm>> -> memref<128xi32, #tpu.memory_space<hbm>>
    tpu.enqueue_dma source(%dma_start3A_199 : memref<128xi32, #tpu.memory_space<hbm>>) target(%arg8 : memref<128xi32, #tpu.memory_space<vmem>>) target_semaphore(%arg16 : memref<!tpu.dma_semaphore, #tpu.memory_space<semaphore_mem>>)
    %dma_start3A_200 = arith.constant 9856 : i32
    %dma_start3A_201 = tpu.memref_slice %arg6[%dma_start3A_200] : memref<10000xi32, #tpu.memory_space<vmem>> -> memref<128xi32, #tpu.memory_space<vmem>>
    %dma_start3A_202 = arith.constant 0 : i32
    %dma_start3A_203 = arith.constant 0 : i32
    %dma_start3A_204 = tpu.memref_slice %arg2[%dma_start3A_202, %dma_start3A_203] : memref<10000x128xf32, #tpu.memory_space<hbm>> -> memref<10000x128xf32, #tpu.memory_space<hbm>>
    tpu.enqueue_indirect_dma source(%dma_start3A_204 : memref<10000x128xf32, #tpu.memory_space<hbm>>) target(%arg11 : memref<128x128xf32, #tpu.memory_space<vmem>>) offsets(%dma_start3A_201 : memref<128xi32, #tpu.memory_space<vmem>>) semaphore(%arg14 : memref<!tpu.dma_semaphore, #tpu.memory_space<semaphore_mem>>)
    %dma_wait3A_205 = arith.constant 0 : i32
    %dma_wait3A_206 = arith.constant 0 : i32
    %dma_wait3A_207 = tpu.memref_slice %arg2[%dma_wait3A_205, %dma_wait3A_206] : memref<10000x128xf32, #tpu.memory_space<hbm>> -> memref<128x128xf32, #tpu.memory_space<hbm>>
    %dma_wait3A_208 = arith.constant 0 : i32
    %dma_wait3A_209 = arith.constant 0 : i32
    %dma_wait3A_210 = tpu.memref_slice %arg2[%dma_wait3A_208, %dma_wait3A_209] : memref<10000x128xf32, #tpu.memory_space<hbm>> -> memref<128x128xf32, #tpu.memory_space<hbm>>
    tpu.wait_dma2 semaphore(%arg13 : memref<!tpu.dma_semaphore, #tpu.memory_space<semaphore_mem>>) src(%dma_wait3A_210 : memref<128x128xf32, #tpu.memory_space<hbm>>) dst(%arg10 : memref<128x128xf32, #tpu.memory_space<vmem>>)
    %dma_wait3A_211 = arith.constant 0 : i32
    %dma_wait3A_212 = tpu.memref_slice %arg4[%dma_wait3A_211] : memref<320000xi32, #tpu.memory_space<hbm>> -> memref<128xi32, #tpu.memory_space<hbm>>
    %dma_wait3A_213 = arith.constant 0 : i32
    %dma_wait3A_214 = tpu.memref_slice %arg4[%dma_wait3A_213] : memref<320000xi32, #tpu.memory_space<hbm>> -> memref<128xi32, #tpu.memory_space<hbm>>
    tpu.wait_dma2 semaphore(%arg15 : memref<!tpu.dma_semaphore, #tpu.memory_space<semaphore_mem>>) src(%dma_wait3A_214 : memref<128xi32, #tpu.memory_space<hbm>>) dst(%arg7 : memref<128xi32, #tpu.memory_space<vmem>>)
    "tpu.region"() ({
      %run_scoped3A = tpu.sem_alloc : memref<!tpu.dma_semaphore, #tpu.memory_space<semaphore_mem>>
      %dma_start3A_261 = arith.constant 0 : i32
      %dma_start3A_262 = arith.constant 0 : i32
      %dma_start3A_263 = tpu.memref_slice %arg12[%dma_start3A_261, %dma_start3A_262] : memref<10000x128xf32, #tpu.memory_space<vmem_shared>> -> memref<10000x128xf32, #tpu.memory_space<vmem_shared>>
      tpu.enqueue_indirect_dma source(%arg10 : memref<128x128xf32, #tpu.memory_space<vmem>>) target(%dma_start3A_263 : memref<10000x128xf32, #tpu.memory_space<vmem_shared>>) offsets(%arg7 : memref<128xi32, #tpu.memory_space<vmem>>) semaphore(%run_scoped3A : memref<!tpu.dma_semaphore, #tpu.memory_space<semaphore_mem>>) {add = true}
      %dma_wait3A_264 = arith.constant 0 : i32
      %dma_wait3A_265 = arith.constant 0 : i32
      %dma_wait3A_266 = tpu.memref_slice %arg12[%dma_wait3A_264, %dma_wait3A_265] : memref<10000x128xf32, #tpu.memory_space<vmem_shared>> -> memref<10000x128xf32, #tpu.memory_space<vmem_shared>>
      tpu.wait_indirect_dma semaphore(%run_scoped3A : memref<!tpu.dma_semaphore, #tpu.memory_space<semaphore_mem>>) src(%arg10 : memref<128x128xf32, #tpu.memory_space<vmem>>) dst(%dma_wait3A_266 : memref<10000x128xf32, #tpu.memory_space<vmem_shared>>)
      tpu.yield
    }) : () -> ()
    %add3A_215 = arith.constant 9984 : i32
    %add3A_216 = arith.addi %mul3A_2, %add3A_215 : i32
    %dma_start3A_217 = tpu.memref_slice %arg4[%add3A_216] : memref<320000xi32, #tpu.memory_space<hbm>> -> memref<16xi32, #tpu.memory_space<hbm>>
    %dma_start3A_218 = tpu.memref_slice %arg4[%add3A_216] : memref<320000xi32, #tpu.memory_space<hbm>> -> memref<16xi32, #tpu.memory_space<hbm>>
    tpu.enqueue_dma source(%dma_start3A_218 : memref<16xi32, #tpu.memory_space<hbm>>) target(%arg9 : memref<16xi32, #tpu.memory_space<vmem>>) target_semaphore(%arg15 : memref<!tpu.dma_semaphore, #tpu.memory_space<semaphore_mem>>)
    %dma_start3A_219 = arith.constant 0 : i32
    %dma_start3A_220 = arith.constant 0 : i32
    %dma_start3A_221 = tpu.memref_slice %arg10[%dma_start3A_219, %dma_start3A_220] : memref<128x128xf32, #tpu.memory_space<vmem>> -> memref<16x128xf32, #tpu.memory_space<vmem>>
    %dma_start3A_222 = arith.constant 9984 : i32
    %dma_start3A_223 = tpu.memref_slice %arg6[%dma_start3A_222] : memref<10000xi32, #tpu.memory_space<vmem>> -> memref<16xi32, #tpu.memory_space<vmem>>
    %dma_start3A_224 = arith.constant 0 : i32
    %dma_start3A_225 = arith.constant 0 : i32
    %dma_start3A_226 = tpu.memref_slice %arg2[%dma_start3A_224, %dma_start3A_225] : memref<10000x128xf32, #tpu.memory_space<hbm>> -> memref<10000x128xf32, #tpu.memory_space<hbm>>
    tpu.enqueue_indirect_dma source(%dma_start3A_226 : memref<10000x128xf32, #tpu.memory_space<hbm>>) target(%dma_start3A_221 : memref<16x128xf32, #tpu.memory_space<vmem>>) offsets(%dma_start3A_223 : memref<16xi32, #tpu.memory_space<vmem>>) semaphore(%arg13 : memref<!tpu.dma_semaphore, #tpu.memory_space<semaphore_mem>>)
    %dma_wait3A_227 = arith.constant 0 : i32
    %dma_wait3A_228 = arith.constant 0 : i32
    %dma_wait3A_229 = tpu.memref_slice %arg2[%dma_wait3A_227, %dma_wait3A_228] : memref<10000x128xf32, #tpu.memory_space<hbm>> -> memref<128x128xf32, #tpu.memory_space<hbm>>
    %dma_wait3A_230 = arith.constant 0 : i32
    %dma_wait3A_231 = arith.constant 0 : i32
    %dma_wait3A_232 = tpu.memref_slice %arg2[%dma_wait3A_230, %dma_wait3A_231] : memref<10000x128xf32, #tpu.memory_space<hbm>> -> memref<128x128xf32, #tpu.memory_space<hbm>>
    tpu.wait_dma2 semaphore(%arg14 : memref<!tpu.dma_semaphore, #tpu.memory_space<semaphore_mem>>) src(%dma_wait3A_232 : memref<128x128xf32, #tpu.memory_space<hbm>>) dst(%arg11 : memref<128x128xf32, #tpu.memory_space<vmem>>)
    %dma_wait3A_233 = arith.constant 0 : i32
    %dma_wait3A_234 = tpu.memref_slice %arg4[%dma_wait3A_233] : memref<320000xi32, #tpu.memory_space<hbm>> -> memref<128xi32, #tpu.memory_space<hbm>>
    %dma_wait3A_235 = arith.constant 0 : i32
    %dma_wait3A_236 = tpu.memref_slice %arg4[%dma_wait3A_235] : memref<320000xi32, #tpu.memory_space<hbm>> -> memref<128xi32, #tpu.memory_space<hbm>>
    tpu.wait_dma2 semaphore(%arg16 : memref<!tpu.dma_semaphore, #tpu.memory_space<semaphore_mem>>) src(%dma_wait3A_236 : memref<128xi32, #tpu.memory_space<hbm>>) dst(%arg8 : memref<128xi32, #tpu.memory_space<vmem>>)
    "tpu.region"() ({
      %run_scoped3A = tpu.sem_alloc : memref<!tpu.dma_semaphore, #tpu.memory_space<semaphore_mem>>
      %dma_start3A_261 = arith.constant 0 : i32
      %dma_start3A_262 = arith.constant 0 : i32
      %dma_start3A_263 = tpu.memref_slice %arg12[%dma_start3A_261, %dma_start3A_262] : memref<10000x128xf32, #tpu.memory_space<vmem_shared>> -> memref<10000x128xf32, #tpu.memory_space<vmem_shared>>
      tpu.enqueue_indirect_dma source(%arg11 : memref<128x128xf32, #tpu.memory_space<vmem>>) target(%dma_start3A_263 : memref<10000x128xf32, #tpu.memory_space<vmem_shared>>) offsets(%arg8 : memref<128xi32, #tpu.memory_space<vmem>>) semaphore(%run_scoped3A : memref<!tpu.dma_semaphore, #tpu.memory_space<semaphore_mem>>) {add = true}
      %dma_wait3A_264 = arith.constant 0 : i32
      %dma_wait3A_265 = arith.constant 0 : i32
      %dma_wait3A_266 = tpu.memref_slice %arg12[%dma_wait3A_264, %dma_wait3A_265] : memref<10000x128xf32, #tpu.memory_space<vmem_shared>> -> memref<10000x128xf32, #tpu.memory_space<vmem_shared>>
      tpu.wait_indirect_dma semaphore(%run_scoped3A : memref<!tpu.dma_semaphore, #tpu.memory_space<semaphore_mem>>) src(%arg11 : memref<128x128xf32, #tpu.memory_space<vmem>>) dst(%dma_wait3A_266 : memref<10000x128xf32, #tpu.memory_space<vmem_shared>>)
      tpu.yield
    }) : () -> ()
    %dma_wait3A_237 = arith.constant 0 : i32
    %dma_wait3A_238 = arith.constant 0 : i32
    %dma_wait3A_239 = tpu.memref_slice %arg10[%dma_wait3A_237, %dma_wait3A_238] : memref<128x128xf32, #tpu.memory_space<vmem>> -> memref<16x128xf32, #tpu.memory_space<vmem>>
    %dma_wait3A_240 = arith.constant 0 : i32
    %dma_wait3A_241 = arith.constant 0 : i32
    %dma_wait3A_242 = tpu.memref_slice %arg2[%dma_wait3A_240, %dma_wait3A_241] : memref<10000x128xf32, #tpu.memory_space<hbm>> -> memref<16x128xf32, #tpu.memory_space<hbm>>
    %dma_wait3A_243 = arith.constant 0 : i32
    %dma_wait3A_244 = arith.constant 0 : i32
    %dma_wait3A_245 = tpu.memref_slice %arg10[%dma_wait3A_243, %dma_wait3A_244] : memref<128x128xf32, #tpu.memory_space<vmem>> -> memref<16x128xf32, #tpu.memory_space<vmem>>
    %dma_wait3A_246 = arith.constant 0 : i32
    %dma_wait3A_247 = arith.constant 0 : i32
    %dma_wait3A_248 = tpu.memref_slice %arg2[%dma_wait3A_246, %dma_wait3A_247] : memref<10000x128xf32, #tpu.memory_space<hbm>> -> memref<16x128xf32, #tpu.memory_space<hbm>>
    tpu.wait_dma2 semaphore(%arg13 : memref<!tpu.dma_semaphore, #tpu.memory_space<semaphore_mem>>) src(%dma_wait3A_248 : memref<16x128xf32, #tpu.memory_space<hbm>>) dst(%dma_wait3A_245 : memref<16x128xf32, #tpu.memory_space<vmem>>)
    %dma_wait3A_249 = arith.constant 0 : i32
    %dma_wait3A_250 = tpu.memref_slice %arg4[%dma_wait3A_249] : memref<320000xi32, #tpu.memory_space<hbm>> -> memref<16xi32, #tpu.memory_space<hbm>>
    %dma_wait3A_251 = arith.constant 0 : i32
    %dma_wait3A_252 = tpu.memref_slice %arg4[%dma_wait3A_251] : memref<320000xi32, #tpu.memory_space<hbm>> -> memref<16xi32, #tpu.memory_space<hbm>>
    tpu.wait_dma2 semaphore(%arg15 : memref<!tpu.dma_semaphore, #tpu.memory_space<semaphore_mem>>) src(%dma_wait3A_252 : memref<16xi32, #tpu.memory_space<hbm>>) dst(%arg9 : memref<16xi32, #tpu.memory_space<vmem>>)
    "tpu.region"() ({
      %run_scoped3A = tpu.sem_alloc : memref<!tpu.dma_semaphore, #tpu.memory_space<semaphore_mem>>
      %dma_start3A_261 = arith.constant 0 : i32
      %dma_start3A_262 = arith.constant 0 : i32
      %dma_start3A_263 = tpu.memref_slice %arg10[%dma_start3A_261, %dma_start3A_262] : memref<128x128xf32, #tpu.memory_space<vmem>> -> memref<16x128xf32, #tpu.memory_space<vmem>>
      %dma_start3A_264 = arith.constant 0 : i32
      %dma_start3A_265 = arith.constant 0 : i32
      %dma_start3A_266 = tpu.memref_slice %arg12[%dma_start3A_264, %dma_start3A_265] : memref<10000x128xf32, #tpu.memory_space<vmem_shared>> -> memref<10000x128xf32, #tpu.memory_space<vmem_shared>>
      tpu.enqueue_indirect_dma source(%dma_start3A_263 : memref<16x128xf32, #tpu.memory_space<vmem>>) target(%dma_start3A_266 : memref<10000x128xf32, #tpu.memory_space<vmem_shared>>) offsets(%arg9 : memref<16xi32, #tpu.memory_space<vmem>>) semaphore(%run_scoped3A : memref<!tpu.dma_semaphore, #tpu.memory_space<semaphore_mem>>) {add = true}
      %dma_wait3A_267 = arith.constant 0 : i32
      %dma_wait3A_268 = arith.constant 0 : i32
      %dma_wait3A_269 = tpu.memref_slice %arg10[%dma_wait3A_267, %dma_wait3A_268] : memref<128x128xf32, #tpu.memory_space<vmem>> -> memref<16x128xf32, #tpu.memory_space<vmem>>
      %dma_wait3A_270 = arith.constant 0 : i32
      %dma_wait3A_271 = arith.constant 0 : i32
      %dma_wait3A_272 = tpu.memref_slice %arg12[%dma_wait3A_270, %dma_wait3A_271] : memref<10000x128xf32, #tpu.memory_space<vmem_shared>> -> memref<10000x128xf32, #tpu.memory_space<vmem_shared>>
      tpu.wait_indirect_dma semaphore(%run_scoped3A : memref<!tpu.dma_semaphore, #tpu.memory_space<semaphore_mem>>) src(%dma_wait3A_269 : memref<16x128xf32, #tpu.memory_space<vmem>>) dst(%dma_wait3A_272 : memref<10000x128xf32, #tpu.memory_space<vmem_shared>>)
      tpu.yield
    }) : () -> ()
    %barrier3A_253 = arith.constant 0 : index
    tpu.barrier barrier_id(%barrier3A_253)
    %mul3A_254 = arith.constant 625 : i32
    %mul3A_255 = arith.muli %arg1, %mul3A_254 : i32
    %mul3A_256 = arith.constant 10000 : i32
    %mul3A_257 = arith.muli %arg0, %mul3A_256 : i32
    %mul3A_258 = arith.constant 625 : i32
    %mul3A_259 = arith.muli %arg1, %mul3A_258 : i32
    %add3A_260 = arith.addi %mul3A_257, %mul3A_259 : i32
    "tpu.region"() ({
      %run_scoped3A = tpu.sem_alloc : memref<!tpu.dma_semaphore, #tpu.memory_space<semaphore_mem>>
      %dma_start3A_261 = arith.constant 0 : i32
      %dma_start3A_262 = tpu.memref_slice %arg5[%add3A_260, %dma_start3A_261] : memref<20000x128xf32, #tpu.memory_space<hbm>> -> memref<625x128xf32, #tpu.memory_space<hbm>>
      %dma_start3A_263 = arith.constant 0 : i32
      %dma_start3A_264 = tpu.memref_slice %arg12[%mul3A_255, %dma_start3A_263] : memref<10000x128xf32, #tpu.memory_space<vmem_shared>> -> memref<625x128xf32, #tpu.memory_space<vmem_shared>>
      tpu.enqueue_dma source(%dma_start3A_264 : memref<625x128xf32, #tpu.memory_space<vmem_shared>>) target(%dma_start3A_262 : memref<625x128xf32, #tpu.memory_space<hbm>>) target_semaphore(%run_scoped3A : memref<!tpu.dma_semaphore, #tpu.memory_space<semaphore_mem>>)
      %dma_wait3A_265 = arith.constant 0 : i32
      %dma_wait3A_266 = tpu.memref_slice %arg5[%add3A_260, %dma_wait3A_265] : memref<20000x128xf32, #tpu.memory_space<hbm>> -> memref<625x128xf32, #tpu.memory_space<hbm>>
      %dma_wait3A_267 = arith.constant 0 : i32
      %dma_wait3A_268 = tpu.memref_slice %arg12[%mul3A_255, %dma_wait3A_267] : memref<10000x128xf32, #tpu.memory_space<vmem_shared>> -> memref<625x128xf32, #tpu.memory_space<vmem_shared>>
      tpu.wait_dma2 semaphore(%run_scoped3A : memref<!tpu.dma_semaphore, #tpu.memory_space<semaphore_mem>>) src(%dma_wait3A_268 : memref<625x128xf32, #tpu.memory_space<vmem_shared>>) dst(%dma_wait3A_266 : memref<625x128xf32, #tpu.memory_space<hbm>>)
      tpu.yield
    }) : () -> ()
    return
  }
}

#map = affine_map<(d0, d1) -> (0)>
#map1 = affine_map<(d0, d1) -> (0, 0)>
module attributes {stable_mosaic.version = 14 : i64} {
  func.func @_deg_kernel(%arg0: i32, %arg1: i32, %arg2: memref<320000xi32, #tpu.memory_space<hbm>>, %arg3: memref<320000xi32, #tpu.memory_space<hbm>>, %arg4: memref<32x10000xf32, #tpu.memory_space<hbm>>, %arg5: memref<32x10000xf32, #tpu.memory_space<hbm>>, %arg6: memref<10000xf32, #tpu.memory_space<vmem>>, %arg7: memref<10000xf32, #tpu.memory_space<vmem>>, %arg8: memref<2000xi32, #tpu.memory_space<vmem>>, %arg9: memref<2000xi32, #tpu.memory_space<vmem>>, %arg10: memref<2000xi32, #tpu.memory_space<vmem>>, %arg11: memref<2000xi32, #tpu.memory_space<vmem>>, %arg12: memref<!tpu.dma_semaphore, #tpu.memory_space<semaphore_mem>>, %arg13: memref<!tpu.dma_semaphore, #tpu.memory_space<semaphore_mem>>) attributes {dimension_semantics = [#tpu.dimension_semantics<core_parallel>, #tpu.dimension_semantics<subcore_parallel>], iteration_bounds = array<i64: 2, 16>, scalar_prefetch = 0 : i64, scratch_operands = 8 : i64, tpu.core_type = #tpu.core_type<sc_vector_subcore>, window_params = [{transform_indices = #map}, {transform_indices = #map}, {transform_indices = #map1}, {transform_indices = #map1}]} {
    %mul3A = arith.constant 2 : i32
    %mul3A_0 = arith.muli %arg1, %mul3A : i32
    %add3A = arith.addi %mul3A_0, %arg0 : i32
    %broadcast_in_dim3A = arith.constant 0.000000e+00 : f32
    %broadcast_in_dim3A_1 = vector.broadcast %broadcast_in_dim3A : f32 to vector<16xf32>
    %scan3A = arith.constant 0 : i32
    %scan3A_2 = arith.constant 0 : i32
    %scan3A_3 = arith.constant 625 : i32
    %scan3A_4 = arith.addi %scan3A_2, %scan3A_3 : i32
    %scan3A_5 = arith.constant 1 : i32
    scf.for %scan3A_119 = %scan3A_2 to %scan3A_4 step %scan3A_5  : i32 {
      %mul3A_120 = arith.constant 16 : i32
      %mul3A_121 = arith.muli %scan3A_119, %mul3A_120 : i32
      %swap3A = arith.index_cast %mul3A_121 : i32 to index
      %swap3A_122 = tpu.vector_load %arg6[%swap3A] {strides = array<i32>} : memref<10000xf32, #tpu.memory_space<vmem>>, vector<16xf32>,
      tpu.vector_store %arg6[%swap3A], %broadcast_in_dim3A_1 {strides = array<i32>} : memref<10000xf32, #tpu.memory_space<vmem>>, vector<16xf32>,
      %mul3A_123 = arith.constant 16 : i32
      %mul3A_124 = arith.muli %scan3A_119, %mul3A_123 : i32
      %swap3A_125 = arith.index_cast %mul3A_124 : i32 to index
      %swap3A_126 = tpu.vector_load %arg7[%swap3A_125] {strides = array<i32>} : memref<10000xf32, #tpu.memory_space<vmem>>, vector<16xf32>,
      tpu.vector_store %arg7[%swap3A_125], %broadcast_in_dim3A_1 {strides = array<i32>} : memref<10000xf32, #tpu.memory_space<vmem>>, vector<16xf32>,
    }
    %scan3A_6 = arith.constant 625 : i32
    %mul3A_7 = arith.constant 10000 : i32
    %mul3A_8 = arith.muli %add3A, %mul3A_7 : i32
    %broadcast_in_dim3A_9 = arith.constant 1.000000e+00 : f32
    %broadcast_in_dim3A_10 = vector.broadcast %broadcast_in_dim3A_9 : f32 to vector<16xf32>
    %add3A_11 = arith.constant 0 : i32
    %add3A_12 = arith.addi %mul3A_8, %add3A_11 : i32
    %dma_start3A = tpu.memref_slice %arg2[%add3A_12] : memref<320000xi32, #tpu.memory_space<hbm>> -> memref<2000xi32, #tpu.memory_space<hbm>>
    %dma_start3A_13 = tpu.memref_slice %arg2[%add3A_12] : memref<320000xi32, #tpu.memory_space<hbm>> -> memref<2000xi32, #tpu.memory_space<hbm>>
    tpu.enqueue_dma source(%dma_start3A_13 : memref<2000xi32, #tpu.memory_space<hbm>>) target(%arg8 : memref<2000xi32, #tpu.memory_space<vmem>>) target_semaphore(%arg12 : memref<!tpu.dma_semaphore, #tpu.memory_space<semaphore_mem>>)
    %add3A_14 = arith.constant 0 : i32
    %add3A_15 = arith.addi %mul3A_8, %add3A_14 : i32
    %dma_start3A_16 = tpu.memref_slice %arg3[%add3A_15] : memref<320000xi32, #tpu.memory_space<hbm>> -> memref<2000xi32, #tpu.memory_space<hbm>>
    %dma_start3A_17 = tpu.memref_slice %arg3[%add3A_15] : memref<320000xi32, #tpu.memory_space<hbm>> -> memref<2000xi32, #tpu.memory_space<hbm>>
    tpu.enqueue_dma source(%dma_start3A_17 : memref<2000xi32, #tpu.memory_space<hbm>>) target(%arg10 : memref<2000xi32, #tpu.memory_space<vmem>>) target_semaphore(%arg12 : memref<!tpu.dma_semaphore, #tpu.memory_space<semaphore_mem>>)
    %add3A_18 = arith.constant 2000 : i32
    %add3A_19 = arith.addi %mul3A_8, %add3A_18 : i32
    %dma_start3A_20 = tpu.memref_slice %arg2[%add3A_19] : memref<320000xi32, #tpu.memory_space<hbm>> -> memref<2000xi32, #tpu.memory_space<hbm>>
    %dma_start3A_21 = tpu.memref_slice %arg2[%add3A_19] : memref<320000xi32, #tpu.memory_space<hbm>> -> memref<2000xi32, #tpu.memory_space<hbm>>
    tpu.enqueue_dma source(%dma_start3A_21 : memref<2000xi32, #tpu.memory_space<hbm>>) target(%arg9 : memref<2000xi32, #tpu.memory_space<vmem>>) target_semaphore(%arg13 : memref<!tpu.dma_semaphore, #tpu.memory_space<semaphore_mem>>)
    %add3A_22 = arith.constant 2000 : i32
    %add3A_23 = arith.addi %mul3A_8, %add3A_22 : i32
    %dma_start3A_24 = tpu.memref_slice %arg3[%add3A_23] : memref<320000xi32, #tpu.memory_space<hbm>> -> memref<2000xi32, #tpu.memory_space<hbm>>
    %dma_start3A_25 = tpu.memref_slice %arg3[%add3A_23] : memref<320000xi32, #tpu.memory_space<hbm>> -> memref<2000xi32, #tpu.memory_space<hbm>>
    tpu.enqueue_dma source(%dma_start3A_25 : memref<2000xi32, #tpu.memory_space<hbm>>) target(%arg11 : memref<2000xi32, #tpu.memory_space<vmem>>) target_semaphore(%arg13 : memref<!tpu.dma_semaphore, #tpu.memory_space<semaphore_mem>>)
    %dma_wait3A = arith.constant 0 : i32
    %dma_wait3A_26 = tpu.memref_slice %arg2[%dma_wait3A] : memref<320000xi32, #tpu.memory_space<hbm>> -> memref<2000xi32, #tpu.memory_space<hbm>>
    %dma_wait3A_27 = arith.constant 0 : i32
    %dma_wait3A_28 = tpu.memref_slice %arg2[%dma_wait3A_27] : memref<320000xi32, #tpu.memory_space<hbm>> -> memref<2000xi32, #tpu.memory_space<hbm>>
    tpu.wait_dma2 semaphore(%arg12 : memref<!tpu.dma_semaphore, #tpu.memory_space<semaphore_mem>>) src(%dma_wait3A_28 : memref<2000xi32, #tpu.memory_space<hbm>>) dst(%arg8 : memref<2000xi32, #tpu.memory_space<vmem>>)
    %dma_wait3A_29 = arith.constant 0 : i32
    %dma_wait3A_30 = tpu.memref_slice %arg3[%dma_wait3A_29] : memref<320000xi32, #tpu.memory_space<hbm>> -> memref<2000xi32, #tpu.memory_space<hbm>>
    %dma_wait3A_31 = arith.constant 0 : i32
    %dma_wait3A_32 = tpu.memref_slice %arg3[%dma_wait3A_31] : memref<320000xi32, #tpu.memory_space<hbm>> -> memref<2000xi32, #tpu.memory_space<hbm>>
    tpu.wait_dma2 semaphore(%arg12 : memref<!tpu.dma_semaphore, #tpu.memory_space<semaphore_mem>>) src(%dma_wait3A_32 : memref<2000xi32, #tpu.memory_space<hbm>>) dst(%arg10 : memref<2000xi32, #tpu.memory_space<vmem>>)
    %scan3A_33 = arith.constant 0 : i32
    %scan3A_34 = arith.constant 0 : i32
    %scan3A_35 = arith.constant 25 : i32
    %scan3A_36 = arith.addi %scan3A_34, %scan3A_35 : i32
    %scan3A_37 = arith.constant 1 : i32
    scf.for %scan3A_119 = %scan3A_34 to %scan3A_36 step %scan3A_37  : i32 {
      %mul3A_120 = arith.constant 5 : i32
      %mul3A_121 = arith.muli %scan3A_119, %mul3A_120 : i32
      %add3A_122 = arith.constant 0 : i32
      %add3A_123 = arith.addi %mul3A_121, %add3A_122 : i32
      %mul3A_124 = arith.constant 16 : i32
      %mul3A_125 = arith.muli %add3A_123, %mul3A_124 : i32
      %get3A = arith.index_cast %mul3A_125 : i32 to index
      %get3A_126 = tpu.vector_load %arg8[%get3A] {strides = array<i32>} : memref<2000xi32, #tpu.memory_space<vmem>>, vector<16xi32>,
      %get3A_127 = arith.index_cast %mul3A_125 : i32 to index
      %get3A_128 = tpu.vector_load %arg10[%get3A_127] {strides = array<i32>} : memref<2000xi32, #tpu.memory_space<vmem>>, vector<16xi32>,
      tpu.vector_store_idx %arg6[%get3A_126], %broadcast_in_dim3A_10 {add = true} : memref<10000xf32, #tpu.memory_space<vmem>>[vector<16xi32>], vector<16xf32>,
      tpu.vector_store_idx %arg7[%get3A_128], %broadcast_in_dim3A_10 {add = true} : memref<10000xf32, #tpu.memory_space<vmem>>[vector<16xi32>], vector<16xf32>,
      %mul3A_129 = arith.constant 5 : i32
      %mul3A_130 = arith.muli %scan3A_119, %mul3A_129 : i32
      %add3A_131 = arith.constant 1 : i32
      %add3A_132 = arith.addi %mul3A_130, %add3A_131 : i32
      %mul3A_133 = arith.constant 16 : i32
      %mul3A_134 = arith.muli %add3A_132, %mul3A_133 : i32
      %get3A_135 = arith.index_cast %mul3A_134 : i32 to index
      %get3A_136 = tpu.vector_load %arg8[%get3A_135] {strides = array<i32>} : memref<2000xi32, #tpu.memory_space<vmem>>, vector<16xi32>,
      %get3A_137 = arith.index_cast %mul3A_134 : i32 to index
      %get3A_138 = tpu.vector_load %arg10[%get3A_137] {strides = array<i32>} : memref<2000xi32, #tpu.memory_space<vmem>>, vector<16xi32>,
      tpu.vector_store_idx %arg6[%get3A_136], %broadcast_in_dim3A_10 {add = true} : memref<10000xf32, #tpu.memory_space<vmem>>[vector<16xi32>], vector<16xf32>,
      tpu.vector_store_idx %arg7[%get3A_138], %broadcast_in_dim3A_10 {add = true} : memref<10000xf32, #tpu.memory_space<vmem>>[vector<16xi32>], vector<16xf32>,
      %mul3A_139 = arith.constant 5 : i32
      %mul3A_140 = arith.muli %scan3A_119, %mul3A_139 : i32
      %add3A_141 = arith.constant 2 : i32
      %add3A_142 = arith.addi %mul3A_140, %add3A_141 : i32
      %mul3A_143 = arith.constant 16 : i32
      %mul3A_144 = arith.muli %add3A_142, %mul3A_143 : i32
      %get3A_145 = arith.index_cast %mul3A_144 : i32 to index
      %get3A_146 = tpu.vector_load %arg8[%get3A_145] {strides = array<i32>} : memref<2000xi32, #tpu.memory_space<vmem>>, vector<16xi32>,
      %get3A_147 = arith.index_cast %mul3A_144 : i32 to index
      %get3A_148 = tpu.vector_load %arg10[%get3A_147] {strides = array<i32>} : memref<2000xi32, #tpu.memory_space<vmem>>, vector<16xi32>,
      tpu.vector_store_idx %arg6[%get3A_146], %broadcast_in_dim3A_10 {add = true} : memref<10000xf32, #tpu.memory_space<vmem>>[vector<16xi32>], vector<16xf32>,
      tpu.vector_store_idx %arg7[%get3A_148], %broadcast_in_dim3A_10 {add = true} : memref<10000xf32, #tpu.memory_space<vmem>>[vector<16xi32>], vector<16xf32>,
      %mul3A_149 = arith.constant 5 : i32
      %mul3A_150 = arith.muli %scan3A_119, %mul3A_149 : i32
      %add3A_151 = arith.constant 3 : i32
      %add3A_152 = arith.addi %mul3A_150, %add3A_151 : i32
      %mul3A_153 = arith.constant 16 : i32
      %mul3A_154 = arith.muli %add3A_152, %mul3A_153 : i32
      %get3A_155 = arith.index_cast %mul3A_154 : i32 to index
      %get3A_156 = tpu.vector_load %arg8[%get3A_155] {strides = array<i32>} : memref<2000xi32, #tpu.memory_space<vmem>>, vector<16xi32>,
      %get3A_157 = arith.index_cast %mul3A_154 : i32 to index
      %get3A_158 = tpu.vector_load %arg10[%get3A_157] {strides = array<i32>} : memref<2000xi32, #tpu.memory_space<vmem>>, vector<16xi32>,
      tpu.vector_store_idx %arg6[%get3A_156], %broadcast_in_dim3A_10 {add = true} : memref<10000xf32, #tpu.memory_space<vmem>>[vector<16xi32>], vector<16xf32>,
      tpu.vector_store_idx %arg7[%get3A_158], %broadcast_in_dim3A_10 {add = true} : memref<10000xf32, #tpu.memory_space<vmem>>[vector<16xi32>], vector<16xf32>,
      %mul3A_159 = arith.constant 5 : i32
      %mul3A_160 = arith.muli %scan3A_119, %mul3A_159 : i32
      %add3A_161 = arith.constant 4 : i32
      %add3A_162 = arith.addi %mul3A_160, %add3A_161 : i32
      %mul3A_163 = arith.constant 16 : i32
      %mul3A_164 = arith.muli %add3A_162, %mul3A_163 : i32
      %get3A_165 = arith.index_cast %mul3A_164 : i32 to index
      %get3A_166 = tpu.vector_load %arg8[%get3A_165] {strides = array<i32>} : memref<2000xi32, #tpu.memory_space<vmem>>, vector<16xi32>,
      %get3A_167 = arith.index_cast %mul3A_164 : i32 to index
      %get3A_168 = tpu.vector_load %arg10[%get3A_167] {strides = array<i32>} : memref<2000xi32, #tpu.memory_space<vmem>>, vector<16xi32>,
      tpu.vector_store_idx %arg6[%get3A_166], %broadcast_in_dim3A_10 {add = true} : memref<10000xf32, #tpu.memory_space<vmem>>[vector<16xi32>], vector<16xf32>,
      tpu.vector_store_idx %arg7[%get3A_168], %broadcast_in_dim3A_10 {add = true} : memref<10000xf32, #tpu.memory_space<vmem>>[vector<16xi32>], vector<16xf32>,
    }
    %scan3A_38 = arith.constant 25 : i32
    %add3A_39 = arith.constant 4000 : i32
    %add3A_40 = arith.addi %mul3A_8, %add3A_39 : i32
    %dma_start3A_41 = tpu.memref_slice %arg2[%add3A_40] : memref<320000xi32, #tpu.memory_space<hbm>> -> memref<2000xi32, #tpu.memory_space<hbm>>
    %dma_start3A_42 = tpu.memref_slice %arg2[%add3A_40] : memref<320000xi32, #tpu.memory_space<hbm>> -> memref<2000xi32, #tpu.memory_space<hbm>>
    tpu.enqueue_dma source(%dma_start3A_42 : memref<2000xi32, #tpu.memory_space<hbm>>) target(%arg8 : memref<2000xi32, #tpu.memory_space<vmem>>) target_semaphore(%arg12 : memref<!tpu.dma_semaphore, #tpu.memory_space<semaphore_mem>>)
    %add3A_43 = arith.constant 4000 : i32
    %add3A_44 = arith.addi %mul3A_8, %add3A_43 : i32
    %dma_start3A_45 = tpu.memref_slice %arg3[%add3A_44] : memref<320000xi32, #tpu.memory_space<hbm>> -> memref<2000xi32, #tpu.memory_space<hbm>>
    %dma_start3A_46 = tpu.memref_slice %arg3[%add3A_44] : memref<320000xi32, #tpu.memory_space<hbm>> -> memref<2000xi32, #tpu.memory_space<hbm>>
    tpu.enqueue_dma source(%dma_start3A_46 : memref<2000xi32, #tpu.memory_space<hbm>>) target(%arg10 : memref<2000xi32, #tpu.memory_space<vmem>>) target_semaphore(%arg12 : memref<!tpu.dma_semaphore, #tpu.memory_space<semaphore_mem>>)
    %dma_wait3A_47 = arith.constant 0 : i32
    %dma_wait3A_48 = tpu.memref_slice %arg2[%dma_wait3A_47] : memref<320000xi32, #tpu.memory_space<hbm>> -> memref<2000xi32, #tpu.memory_space<hbm>>
    %dma_wait3A_49 = arith.constant 0 : i32
    %dma_wait3A_50 = tpu.memref_slice %arg2[%dma_wait3A_49] : memref<320000xi32, #tpu.memory_space<hbm>> -> memref<2000xi32, #tpu.memory_space<hbm>>
    tpu.wait_dma2 semaphore(%arg13 : memref<!tpu.dma_semaphore, #tpu.memory_space<semaphore_mem>>) src(%dma_wait3A_50 : memref<2000xi32, #tpu.memory_space<hbm>>) dst(%arg9 : memref<2000xi32, #tpu.memory_space<vmem>>)
    %dma_wait3A_51 = arith.constant 0 : i32
    %dma_wait3A_52 = tpu.memref_slice %arg3[%dma_wait3A_51] : memref<320000xi32, #tpu.memory_space<hbm>> -> memref<2000xi32, #tpu.memory_space<hbm>>
    %dma_wait3A_53 = arith.constant 0 : i32
    %dma_wait3A_54 = tpu.memref_slice %arg3[%dma_wait3A_53] : memref<320000xi32, #tpu.memory_space<hbm>> -> memref<2000xi32, #tpu.memory_space<hbm>>
    tpu.wait_dma2 semaphore(%arg13 : memref<!tpu.dma_semaphore, #tpu.memory_space<semaphore_mem>>) src(%dma_wait3A_54 : memref<2000xi32, #tpu.memory_space<hbm>>) dst(%arg11 : memref<2000xi32, #tpu.memory_space<vmem>>)
    %scan3A_55 = arith.constant 0 : i32
    %scan3A_56 = arith.constant 0 : i32
    %scan3A_57 = arith.constant 25 : i32
    %scan3A_58 = arith.addi %scan3A_56, %scan3A_57 : i32
    %scan3A_59 = arith.constant 1 : i32
    scf.for %scan3A_119 = %scan3A_56 to %scan3A_58 step %scan3A_59  : i32 {
      %mul3A_120 = arith.constant 5 : i32
      %mul3A_121 = arith.muli %scan3A_119, %mul3A_120 : i32
      %add3A_122 = arith.constant 0 : i32
      %add3A_123 = arith.addi %mul3A_121, %add3A_122 : i32
      %mul3A_124 = arith.constant 16 : i32
      %mul3A_125 = arith.muli %add3A_123, %mul3A_124 : i32
      %get3A = arith.index_cast %mul3A_125 : i32 to index
      %get3A_126 = tpu.vector_load %arg9[%get3A] {strides = array<i32>} : memref<2000xi32, #tpu.memory_space<vmem>>, vector<16xi32>,
      %get3A_127 = arith.index_cast %mul3A_125 : i32 to index
      %get3A_128 = tpu.vector_load %arg11[%get3A_127] {strides = array<i32>} : memref<2000xi32, #tpu.memory_space<vmem>>, vector<16xi32>,
      tpu.vector_store_idx %arg6[%get3A_126], %broadcast_in_dim3A_10 {add = true} : memref<10000xf32, #tpu.memory_space<vmem>>[vector<16xi32>], vector<16xf32>,
      tpu.vector_store_idx %arg7[%get3A_128], %broadcast_in_dim3A_10 {add = true} : memref<10000xf32, #tpu.memory_space<vmem>>[vector<16xi32>], vector<16xf32>,
      %mul3A_129 = arith.constant 5 : i32
      %mul3A_130 = arith.muli %scan3A_119, %mul3A_129 : i32
      %add3A_131 = arith.constant 1 : i32
      %add3A_132 = arith.addi %mul3A_130, %add3A_131 : i32
      %mul3A_133 = arith.constant 16 : i32
      %mul3A_134 = arith.muli %add3A_132, %mul3A_133 : i32
      %get3A_135 = arith.index_cast %mul3A_134 : i32 to index
      %get3A_136 = tpu.vector_load %arg9[%get3A_135] {strides = array<i32>} : memref<2000xi32, #tpu.memory_space<vmem>>, vector<16xi32>,
      %get3A_137 = arith.index_cast %mul3A_134 : i32 to index
      %get3A_138 = tpu.vector_load %arg11[%get3A_137] {strides = array<i32>} : memref<2000xi32, #tpu.memory_space<vmem>>, vector<16xi32>,
      tpu.vector_store_idx %arg6[%get3A_136], %broadcast_in_dim3A_10 {add = true} : memref<10000xf32, #tpu.memory_space<vmem>>[vector<16xi32>], vector<16xf32>,
      tpu.vector_store_idx %arg7[%get3A_138], %broadcast_in_dim3A_10 {add = true} : memref<10000xf32, #tpu.memory_space<vmem>>[vector<16xi32>], vector<16xf32>,
      %mul3A_139 = arith.constant 5 : i32
      %mul3A_140 = arith.muli %scan3A_119, %mul3A_139 : i32
      %add3A_141 = arith.constant 2 : i32
      %add3A_142 = arith.addi %mul3A_140, %add3A_141 : i32
      %mul3A_143 = arith.constant 16 : i32
      %mul3A_144 = arith.muli %add3A_142, %mul3A_143 : i32
      %get3A_145 = arith.index_cast %mul3A_144 : i32 to index
      %get3A_146 = tpu.vector_load %arg9[%get3A_145] {strides = array<i32>} : memref<2000xi32, #tpu.memory_space<vmem>>, vector<16xi32>,
      %get3A_147 = arith.index_cast %mul3A_144 : i32 to index
      %get3A_148 = tpu.vector_load %arg11[%get3A_147] {strides = array<i32>} : memref<2000xi32, #tpu.memory_space<vmem>>, vector<16xi32>,
      tpu.vector_store_idx %arg6[%get3A_146], %broadcast_in_dim3A_10 {add = true} : memref<10000xf32, #tpu.memory_space<vmem>>[vector<16xi32>], vector<16xf32>,
      tpu.vector_store_idx %arg7[%get3A_148], %broadcast_in_dim3A_10 {add = true} : memref<10000xf32, #tpu.memory_space<vmem>>[vector<16xi32>], vector<16xf32>,
      %mul3A_149 = arith.constant 5 : i32
      %mul3A_150 = arith.muli %scan3A_119, %mul3A_149 : i32
      %add3A_151 = arith.constant 3 : i32
      %add3A_152 = arith.addi %mul3A_150, %add3A_151 : i32
      %mul3A_153 = arith.constant 16 : i32
      %mul3A_154 = arith.muli %add3A_152, %mul3A_153 : i32
      %get3A_155 = arith.index_cast %mul3A_154 : i32 to index
      %get3A_156 = tpu.vector_load %arg9[%get3A_155] {strides = array<i32>} : memref<2000xi32, #tpu.memory_space<vmem>>, vector<16xi32>,
      %get3A_157 = arith.index_cast %mul3A_154 : i32 to index
      %get3A_158 = tpu.vector_load %arg11[%get3A_157] {strides = array<i32>} : memref<2000xi32, #tpu.memory_space<vmem>>, vector<16xi32>,
      tpu.vector_store_idx %arg6[%get3A_156], %broadcast_in_dim3A_10 {add = true} : memref<10000xf32, #tpu.memory_space<vmem>>[vector<16xi32>], vector<16xf32>,
      tpu.vector_store_idx %arg7[%get3A_158], %broadcast_in_dim3A_10 {add = true} : memref<10000xf32, #tpu.memory_space<vmem>>[vector<16xi32>], vector<16xf32>,
      %mul3A_159 = arith.constant 5 : i32
      %mul3A_160 = arith.muli %scan3A_119, %mul3A_159 : i32
      %add3A_161 = arith.constant 4 : i32
      %add3A_162 = arith.addi %mul3A_160, %add3A_161 : i32
      %mul3A_163 = arith.constant 16 : i32
      %mul3A_164 = arith.muli %add3A_162, %mul3A_163 : i32
      %get3A_165 = arith.index_cast %mul3A_164 : i32 to index
      %get3A_166 = tpu.vector_load %arg9[%get3A_165] {strides = array<i32>} : memref<2000xi32, #tpu.memory_space<vmem>>, vector<16xi32>,
      %get3A_167 = arith.index_cast %mul3A_164 : i32 to index
      %get3A_168 = tpu.vector_load %arg11[%get3A_167] {strides = array<i32>} : memref<2000xi32, #tpu.memory_space<vmem>>, vector<16xi32>,
      tpu.vector_store_idx %arg6[%get3A_166], %broadcast_in_dim3A_10 {add = true} : memref<10000xf32, #tpu.memory_space<vmem>>[vector<16xi32>], vector<16xf32>,
      tpu.vector_store_idx %arg7[%get3A_168], %broadcast_in_dim3A_10 {add = true} : memref<10000xf32, #tpu.memory_space<vmem>>[vector<16xi32>], vector<16xf32>,
    }
    %scan3A_60 = arith.constant 25 : i32
    %add3A_61 = arith.constant 6000 : i32
    %add3A_62 = arith.addi %mul3A_8, %add3A_61 : i32
    %dma_start3A_63 = tpu.memref_slice %arg2[%add3A_62] : memref<320000xi32, #tpu.memory_space<hbm>> -> memref<2000xi32, #tpu.memory_space<hbm>>
    %dma_start3A_64 = tpu.memref_slice %arg2[%add3A_62] : memref<320000xi32, #tpu.memory_space<hbm>> -> memref<2000xi32, #tpu.memory_space<hbm>>
    tpu.enqueue_dma source(%dma_start3A_64 : memref<2000xi32, #tpu.memory_space<hbm>>) target(%arg9 : memref<2000xi32, #tpu.memory_space<vmem>>) target_semaphore(%arg13 : memref<!tpu.dma_semaphore, #tpu.memory_space<semaphore_mem>>)
    %add3A_65 = arith.constant 6000 : i32
    %add3A_66 = arith.addi %mul3A_8, %add3A_65 : i32
    %dma_start3A_67 = tpu.memref_slice %arg3[%add3A_66] : memref<320000xi32, #tpu.memory_space<hbm>> -> memref<2000xi32, #tpu.memory_space<hbm>>
    %dma_start3A_68 = tpu.memref_slice %arg3[%add3A_66] : memref<320000xi32, #tpu.memory_space<hbm>> -> memref<2000xi32, #tpu.memory_space<hbm>>
    tpu.enqueue_dma source(%dma_start3A_68 : memref<2000xi32, #tpu.memory_space<hbm>>) target(%arg11 : memref<2000xi32, #tpu.memory_space<vmem>>) target_semaphore(%arg13 : memref<!tpu.dma_semaphore, #tpu.memory_space<semaphore_mem>>)
    %dma_wait3A_69 = arith.constant 0 : i32
    %dma_wait3A_70 = tpu.memref_slice %arg2[%dma_wait3A_69] : memref<320000xi32, #tpu.memory_space<hbm>> -> memref<2000xi32, #tpu.memory_space<hbm>>
    %dma_wait3A_71 = arith.constant 0 : i32
    %dma_wait3A_72 = tpu.memref_slice %arg2[%dma_wait3A_71] : memref<320000xi32, #tpu.memory_space<hbm>> -> memref<2000xi32, #tpu.memory_space<hbm>>
    tpu.wait_dma2 semaphore(%arg12 : memref<!tpu.dma_semaphore, #tpu.memory_space<semaphore_mem>>) src(%dma_wait3A_72 : memref<2000xi32, #tpu.memory_space<hbm>>) dst(%arg8 : memref<2000xi32, #tpu.memory_space<vmem>>)
    %dma_wait3A_73 = arith.constant 0 : i32
    %dma_wait3A_74 = tpu.memref_slice %arg3[%dma_wait3A_73] : memref<320000xi32, #tpu.memory_space<hbm>> -> memref<2000xi32, #tpu.memory_space<hbm>>
    %dma_wait3A_75 = arith.constant 0 : i32
    %dma_wait3A_76 = tpu.memref_slice %arg3[%dma_wait3A_75] : memref<320000xi32, #tpu.memory_space<hbm>> -> memref<2000xi32, #tpu.memory_space<hbm>>
    tpu.wait_dma2 semaphore(%arg12 : memref<!tpu.dma_semaphore, #tpu.memory_space<semaphore_mem>>) src(%dma_wait3A_76 : memref<2000xi32, #tpu.memory_space<hbm>>) dst(%arg10 : memref<2000xi32, #tpu.memory_space<vmem>>)
    %scan3A_77 = arith.constant 0 : i32
    %scan3A_78 = arith.constant 0 : i32
    %scan3A_79 = arith.constant 25 : i32
    %scan3A_80 = arith.addi %scan3A_78, %scan3A_79 : i32
    %scan3A_81 = arith.constant 1 : i32
    scf.for %scan3A_119 = %scan3A_78 to %scan3A_80 step %scan3A_81  : i32 {
      %mul3A_120 = arith.constant 5 : i32
      %mul3A_121 = arith.muli %scan3A_119, %mul3A_120 : i32
      %add3A_122 = arith.constant 0 : i32
      %add3A_123 = arith.addi %mul3A_121, %add3A_122 : i32
      %mul3A_124 = arith.constant 16 : i32
      %mul3A_125 = arith.muli %add3A_123, %mul3A_124 : i32
      %get3A = arith.index_cast %mul3A_125 : i32 to index
      %get3A_126 = tpu.vector_load %arg8[%get3A] {strides = array<i32>} : memref<2000xi32, #tpu.memory_space<vmem>>, vector<16xi32>,
      %get3A_127 = arith.index_cast %mul3A_125 : i32 to index
      %get3A_128 = tpu.vector_load %arg10[%get3A_127] {strides = array<i32>} : memref<2000xi32, #tpu.memory_space<vmem>>, vector<16xi32>,
      tpu.vector_store_idx %arg6[%get3A_126], %broadcast_in_dim3A_10 {add = true} : memref<10000xf32, #tpu.memory_space<vmem>>[vector<16xi32>], vector<16xf32>,
      tpu.vector_store_idx %arg7[%get3A_128], %broadcast_in_dim3A_10 {add = true} : memref<10000xf32, #tpu.memory_space<vmem>>[vector<16xi32>], vector<16xf32>,
      %mul3A_129 = arith.constant 5 : i32
      %mul3A_130 = arith.muli %scan3A_119, %mul3A_129 : i32
      %add3A_131 = arith.constant 1 : i32
      %add3A_132 = arith.addi %mul3A_130, %add3A_131 : i32
      %mul3A_133 = arith.constant 16 : i32
      %mul3A_134 = arith.muli %add3A_132, %mul3A_133 : i32
      %get3A_135 = arith.index_cast %mul3A_134 : i32 to index
      %get3A_136 = tpu.vector_load %arg8[%get3A_135] {strides = array<i32>} : memref<2000xi32, #tpu.memory_space<vmem>>, vector<16xi32>,
      %get3A_137 = arith.index_cast %mul3A_134 : i32 to index
      %get3A_138 = tpu.vector_load %arg10[%get3A_137] {strides = array<i32>} : memref<2000xi32, #tpu.memory_space<vmem>>, vector<16xi32>,
      tpu.vector_store_idx %arg6[%get3A_136], %broadcast_in_dim3A_10 {add = true} : memref<10000xf32, #tpu.memory_space<vmem>>[vector<16xi32>], vector<16xf32>,
      tpu.vector_store_idx %arg7[%get3A_138], %broadcast_in_dim3A_10 {add = true} : memref<10000xf32, #tpu.memory_space<vmem>>[vector<16xi32>], vector<16xf32>,
      %mul3A_139 = arith.constant 5 : i32
      %mul3A_140 = arith.muli %scan3A_119, %mul3A_139 : i32
      %add3A_141 = arith.constant 2 : i32
      %add3A_142 = arith.addi %mul3A_140, %add3A_141 : i32
      %mul3A_143 = arith.constant 16 : i32
      %mul3A_144 = arith.muli %add3A_142, %mul3A_143 : i32
      %get3A_145 = arith.index_cast %mul3A_144 : i32 to index
      %get3A_146 = tpu.vector_load %arg8[%get3A_145] {strides = array<i32>} : memref<2000xi32, #tpu.memory_space<vmem>>, vector<16xi32>,
      %get3A_147 = arith.index_cast %mul3A_144 : i32 to index
      %get3A_148 = tpu.vector_load %arg10[%get3A_147] {strides = array<i32>} : memref<2000xi32, #tpu.memory_space<vmem>>, vector<16xi32>,
      tpu.vector_store_idx %arg6[%get3A_146], %broadcast_in_dim3A_10 {add = true} : memref<10000xf32, #tpu.memory_space<vmem>>[vector<16xi32>], vector<16xf32>,
      tpu.vector_store_idx %arg7[%get3A_148], %broadcast_in_dim3A_10 {add = true} : memref<10000xf32, #tpu.memory_space<vmem>>[vector<16xi32>], vector<16xf32>,
      %mul3A_149 = arith.constant 5 : i32
      %mul3A_150 = arith.muli %scan3A_119, %mul3A_149 : i32
      %add3A_151 = arith.constant 3 : i32
      %add3A_152 = arith.addi %mul3A_150, %add3A_151 : i32
      %mul3A_153 = arith.constant 16 : i32
      %mul3A_154 = arith.muli %add3A_152, %mul3A_153 : i32
      %get3A_155 = arith.index_cast %mul3A_154 : i32 to index
      %get3A_156 = tpu.vector_load %arg8[%get3A_155] {strides = array<i32>} : memref<2000xi32, #tpu.memory_space<vmem>>, vector<16xi32>,
      %get3A_157 = arith.index_cast %mul3A_154 : i32 to index
      %get3A_158 = tpu.vector_load %arg10[%get3A_157] {strides = array<i32>} : memref<2000xi32, #tpu.memory_space<vmem>>, vector<16xi32>,
      tpu.vector_store_idx %arg6[%get3A_156], %broadcast_in_dim3A_10 {add = true} : memref<10000xf32, #tpu.memory_space<vmem>>[vector<16xi32>], vector<16xf32>,
      tpu.vector_store_idx %arg7[%get3A_158], %broadcast_in_dim3A_10 {add = true} : memref<10000xf32, #tpu.memory_space<vmem>>[vector<16xi32>], vector<16xf32>,
      %mul3A_159 = arith.constant 5 : i32
      %mul3A_160 = arith.muli %scan3A_119, %mul3A_159 : i32
      %add3A_161 = arith.constant 4 : i32
      %add3A_162 = arith.addi %mul3A_160, %add3A_161 : i32
      %mul3A_163 = arith.constant 16 : i32
      %mul3A_164 = arith.muli %add3A_162, %mul3A_163 : i32
      %get3A_165 = arith.index_cast %mul3A_164 : i32 to index
      %get3A_166 = tpu.vector_load %arg8[%get3A_165] {strides = array<i32>} : memref<2000xi32, #tpu.memory_space<vmem>>, vector<16xi32>,
      %get3A_167 = arith.index_cast %mul3A_164 : i32 to index
      %get3A_168 = tpu.vector_load %arg10[%get3A_167] {strides = array<i32>} : memref<2000xi32, #tpu.memory_space<vmem>>, vector<16xi32>,
      tpu.vector_store_idx %arg6[%get3A_166], %broadcast_in_dim3A_10 {add = true} : memref<10000xf32, #tpu.memory_space<vmem>>[vector<16xi32>], vector<16xf32>,
      tpu.vector_store_idx %arg7[%get3A_168], %broadcast_in_dim3A_10 {add = true} : memref<10000xf32, #tpu.memory_space<vmem>>[vector<16xi32>], vector<16xf32>,
    }
    %scan3A_82 = arith.constant 25 : i32
    %add3A_83 = arith.constant 8000 : i32
    %add3A_84 = arith.addi %mul3A_8, %add3A_83 : i32
    %dma_start3A_85 = tpu.memref_slice %arg2[%add3A_84] : memref<320000xi32, #tpu.memory_space<hbm>> -> memref<2000xi32, #tpu.memory_space<hbm>>
    %dma_start3A_86 = tpu.memref_slice %arg2[%add3A_84] : memref<320000xi32, #tpu.memory_space<hbm>> -> memref<2000xi32, #tpu.memory_space<hbm>>
    tpu.enqueue_dma source(%dma_start3A_86 : memref<2000xi32, #tpu.memory_space<hbm>>) target(%arg8 : memref<2000xi32, #tpu.memory_space<vmem>>) target_semaphore(%arg12 : memref<!tpu.dma_semaphore, #tpu.memory_space<semaphore_mem>>)
    %add3A_87 = arith.constant 8000 : i32
    %add3A_88 = arith.addi %mul3A_8, %add3A_87 : i32
    %dma_start3A_89 = tpu.memref_slice %arg3[%add3A_88] : memref<320000xi32, #tpu.memory_space<hbm>> -> memref<2000xi32, #tpu.memory_space<hbm>>
    %dma_start3A_90 = tpu.memref_slice %arg3[%add3A_88] : memref<320000xi32, #tpu.memory_space<hbm>> -> memref<2000xi32, #tpu.memory_space<hbm>>
    tpu.enqueue_dma source(%dma_start3A_90 : memref<2000xi32, #tpu.memory_space<hbm>>) target(%arg10 : memref<2000xi32, #tpu.memory_space<vmem>>) target_semaphore(%arg12 : memref<!tpu.dma_semaphore, #tpu.memory_space<semaphore_mem>>)
    %dma_wait3A_91 = arith.constant 0 : i32
    %dma_wait3A_92 = tpu.memref_slice %arg2[%dma_wait3A_91] : memref<320000xi32, #tpu.memory_space<hbm>> -> memref<2000xi32, #tpu.memory_space<hbm>>
    %dma_wait3A_93 = arith.constant 0 : i32
    %dma_wait3A_94 = tpu.memref_slice %arg2[%dma_wait3A_93] : memref<320000xi32, #tpu.memory_space<hbm>> -> memref<2000xi32, #tpu.memory_space<hbm>>
    tpu.wait_dma2 semaphore(%arg13 : memref<!tpu.dma_semaphore, #tpu.memory_space<semaphore_mem>>) src(%dma_wait3A_94 : memref<2000xi32, #tpu.memory_space<hbm>>) dst(%arg9 : memref<2000xi32, #tpu.memory_space<vmem>>)
    %dma_wait3A_95 = arith.constant 0 : i32
    %dma_wait3A_96 = tpu.memref_slice %arg3[%dma_wait3A_95] : memref<320000xi32, #tpu.memory_space<hbm>> -> memref<2000xi32, #tpu.memory_space<hbm>>
    %dma_wait3A_97 = arith.constant 0 : i32
    %dma_wait3A_98 = tpu.memref_slice %arg3[%dma_wait3A_97] : memref<320000xi32, #tpu.memory_space<hbm>> -> memref<2000xi32, #tpu.memory_space<hbm>>
    tpu.wait_dma2 semaphore(%arg13 : memref<!tpu.dma_semaphore, #tpu.memory_space<semaphore_mem>>) src(%dma_wait3A_98 : memref<2000xi32, #tpu.memory_space<hbm>>) dst(%arg11 : memref<2000xi32, #tpu.memory_space<vmem>>)
    %scan3A_99 = arith.constant 0 : i32
    %scan3A_100 = arith.constant 0 : i32
    %scan3A_101 = arith.constant 25 : i32
    %scan3A_102 = arith.addi %scan3A_100, %scan3A_101 : i32
    %scan3A_103 = arith.constant 1 : i32
    scf.for %scan3A_119 = %scan3A_100 to %scan3A_102 step %scan3A_103  : i32 {
      %mul3A_120 = arith.constant 5 : i32
      %mul3A_121 = arith.muli %scan3A_119, %mul3A_120 : i32
      %add3A_122 = arith.constant 0 : i32
      %add3A_123 = arith.addi %mul3A_121, %add3A_122 : i32
      %mul3A_124 = arith.constant 16 : i32
      %mul3A_125 = arith.muli %add3A_123, %mul3A_124 : i32
      %get3A = arith.index_cast %mul3A_125 : i32 to index
      %get3A_126 = tpu.vector_load %arg9[%get3A] {strides = array<i32>} : memref<2000xi32, #tpu.memory_space<vmem>>, vector<16xi32>,
      %get3A_127 = arith.index_cast %mul3A_125 : i32 to index
      %get3A_128 = tpu.vector_load %arg11[%get3A_127] {strides = array<i32>} : memref<2000xi32, #tpu.memory_space<vmem>>, vector<16xi32>,
      tpu.vector_store_idx %arg6[%get3A_126], %broadcast_in_dim3A_10 {add = true} : memref<10000xf32, #tpu.memory_space<vmem>>[vector<16xi32>], vector<16xf32>,
      tpu.vector_store_idx %arg7[%get3A_128], %broadcast_in_dim3A_10 {add = true} : memref<10000xf32, #tpu.memory_space<vmem>>[vector<16xi32>], vector<16xf32>,
      %mul3A_129 = arith.constant 5 : i32
      %mul3A_130 = arith.muli %scan3A_119, %mul3A_129 : i32
      %add3A_131 = arith.constant 1 : i32
      %add3A_132 = arith.addi %mul3A_130, %add3A_131 : i32
      %mul3A_133 = arith.constant 16 : i32
      %mul3A_134 = arith.muli %add3A_132, %mul3A_133 : i32
      %get3A_135 = arith.index_cast %mul3A_134 : i32 to index
      %get3A_136 = tpu.vector_load %arg9[%get3A_135] {strides = array<i32>} : memref<2000xi32, #tpu.memory_space<vmem>>, vector<16xi32>,
      %get3A_137 = arith.index_cast %mul3A_134 : i32 to index
      %get3A_138 = tpu.vector_load %arg11[%get3A_137] {strides = array<i32>} : memref<2000xi32, #tpu.memory_space<vmem>>, vector<16xi32>,
      tpu.vector_store_idx %arg6[%get3A_136], %broadcast_in_dim3A_10 {add = true} : memref<10000xf32, #tpu.memory_space<vmem>>[vector<16xi32>], vector<16xf32>,
      tpu.vector_store_idx %arg7[%get3A_138], %broadcast_in_dim3A_10 {add = true} : memref<10000xf32, #tpu.memory_space<vmem>>[vector<16xi32>], vector<16xf32>,
      %mul3A_139 = arith.constant 5 : i32
      %mul3A_140 = arith.muli %scan3A_119, %mul3A_139 : i32
      %add3A_141 = arith.constant 2 : i32
      %add3A_142 = arith.addi %mul3A_140, %add3A_141 : i32
      %mul3A_143 = arith.constant 16 : i32
      %mul3A_144 = arith.muli %add3A_142, %mul3A_143 : i32
      %get3A_145 = arith.index_cast %mul3A_144 : i32 to index
      %get3A_146 = tpu.vector_load %arg9[%get3A_145] {strides = array<i32>} : memref<2000xi32, #tpu.memory_space<vmem>>, vector<16xi32>,
      %get3A_147 = arith.index_cast %mul3A_144 : i32 to index
      %get3A_148 = tpu.vector_load %arg11[%get3A_147] {strides = array<i32>} : memref<2000xi32, #tpu.memory_space<vmem>>, vector<16xi32>,
      tpu.vector_store_idx %arg6[%get3A_146], %broadcast_in_dim3A_10 {add = true} : memref<10000xf32, #tpu.memory_space<vmem>>[vector<16xi32>], vector<16xf32>,
      tpu.vector_store_idx %arg7[%get3A_148], %broadcast_in_dim3A_10 {add = true} : memref<10000xf32, #tpu.memory_space<vmem>>[vector<16xi32>], vector<16xf32>,
      %mul3A_149 = arith.constant 5 : i32
      %mul3A_150 = arith.muli %scan3A_119, %mul3A_149 : i32
      %add3A_151 = arith.constant 3 : i32
      %add3A_152 = arith.addi %mul3A_150, %add3A_151 : i32
      %mul3A_153 = arith.constant 16 : i32
      %mul3A_154 = arith.muli %add3A_152, %mul3A_153 : i32
      %get3A_155 = arith.index_cast %mul3A_154 : i32 to index
      %get3A_156 = tpu.vector_load %arg9[%get3A_155] {strides = array<i32>} : memref<2000xi32, #tpu.memory_space<vmem>>, vector<16xi32>,
      %get3A_157 = arith.index_cast %mul3A_154 : i32 to index
      %get3A_158 = tpu.vector_load %arg11[%get3A_157] {strides = array<i32>} : memref<2000xi32, #tpu.memory_space<vmem>>, vector<16xi32>,
      tpu.vector_store_idx %arg6[%get3A_156], %broadcast_in_dim3A_10 {add = true} : memref<10000xf32, #tpu.memory_space<vmem>>[vector<16xi32>], vector<16xf32>,
      tpu.vector_store_idx %arg7[%get3A_158], %broadcast_in_dim3A_10 {add = true} : memref<10000xf32, #tpu.memory_space<vmem>>[vector<16xi32>], vector<16xf32>,
      %mul3A_159 = arith.constant 5 : i32
      %mul3A_160 = arith.muli %scan3A_119, %mul3A_159 : i32
      %add3A_161 = arith.constant 4 : i32
      %add3A_162 = arith.addi %mul3A_160, %add3A_161 : i32
      %mul3A_163 = arith.constant 16 : i32
      %mul3A_164 = arith.muli %add3A_162, %mul3A_163 : i32
      %get3A_165 = arith.index_cast %mul3A_164 : i32 to index
      %get3A_166 = tpu.vector_load %arg9[%get3A_165] {strides = array<i32>} : memref<2000xi32, #tpu.memory_space<vmem>>, vector<16xi32>,
      %get3A_167 = arith.index_cast %mul3A_164 : i32 to index
      %get3A_168 = tpu.vector_load %arg11[%get3A_167] {strides = array<i32>} : memref<2000xi32, #tpu.memory_space<vmem>>, vector<16xi32>,
      tpu.vector_store_idx %arg6[%get3A_166], %broadcast_in_dim3A_10 {add = true} : memref<10000xf32, #tpu.memory_space<vmem>>[vector<16xi32>], vector<16xf32>,
      tpu.vector_store_idx %arg7[%get3A_168], %broadcast_in_dim3A_10 {add = true} : memref<10000xf32, #tpu.memory_space<vmem>>[vector<16xi32>], vector<16xf32>,
    }
    %scan3A_104 = arith.constant 25 : i32
    %dma_wait3A_105 = arith.constant 0 : i32
    %dma_wait3A_106 = tpu.memref_slice %arg2[%dma_wait3A_105] : memref<320000xi32, #tpu.memory_space<hbm>> -> memref<2000xi32, #tpu.memory_space<hbm>>
    %dma_wait3A_107 = arith.constant 0 : i32
    %dma_wait3A_108 = tpu.memref_slice %arg2[%dma_wait3A_107] : memref<320000xi32, #tpu.memory_space<hbm>> -> memref<2000xi32, #tpu.memory_space<hbm>>
    tpu.wait_dma2 semaphore(%arg12 : memref<!tpu.dma_semaphore, #tpu.memory_space<semaphore_mem>>) src(%dma_wait3A_108 : memref<2000xi32, #tpu.memory_space<hbm>>) dst(%arg8 : memref<2000xi32, #tpu.memory_space<vmem>>)
    %dma_wait3A_109 = arith.constant 0 : i32
    %dma_wait3A_110 = tpu.memref_slice %arg3[%dma_wait3A_109] : memref<320000xi32, #tpu.memory_space<hbm>> -> memref<2000xi32, #tpu.memory_space<hbm>>
    %dma_wait3A_111 = arith.constant 0 : i32
    %dma_wait3A_112 = tpu.memref_slice %arg3[%dma_wait3A_111] : memref<320000xi32, #tpu.memory_space<hbm>> -> memref<2000xi32, #tpu.memory_space<hbm>>
    tpu.wait_dma2 semaphore(%arg12 : memref<!tpu.dma_semaphore, #tpu.memory_space<semaphore_mem>>) src(%dma_wait3A_112 : memref<2000xi32, #tpu.memory_space<hbm>>) dst(%arg10 : memref<2000xi32, #tpu.memory_space<vmem>>)
    %scan3A_113 = arith.constant 0 : i32
    %scan3A_114 = arith.constant 0 : i32
    %scan3A_115 = arith.constant 25 : i32
    %scan3A_116 = arith.addi %scan3A_114, %scan3A_115 : i32
    %scan3A_117 = arith.constant 1 : i32
    scf.for %scan3A_119 = %scan3A_114 to %scan3A_116 step %scan3A_117  : i32 {
      %mul3A_120 = arith.constant 5 : i32
      %mul3A_121 = arith.muli %scan3A_119, %mul3A_120 : i32
      %add3A_122 = arith.constant 0 : i32
      %add3A_123 = arith.addi %mul3A_121, %add3A_122 : i32
      %mul3A_124 = arith.constant 16 : i32
      %mul3A_125 = arith.muli %add3A_123, %mul3A_124 : i32
      %get3A = arith.index_cast %mul3A_125 : i32 to index
      %get3A_126 = tpu.vector_load %arg8[%get3A] {strides = array<i32>} : memref<2000xi32, #tpu.memory_space<vmem>>, vector<16xi32>,
      %get3A_127 = arith.index_cast %mul3A_125 : i32 to index
      %get3A_128 = tpu.vector_load %arg10[%get3A_127] {strides = array<i32>} : memref<2000xi32, #tpu.memory_space<vmem>>, vector<16xi32>,
      tpu.vector_store_idx %arg6[%get3A_126], %broadcast_in_dim3A_10 {add = true} : memref<10000xf32, #tpu.memory_space<vmem>>[vector<16xi32>], vector<16xf32>,
      tpu.vector_store_idx %arg7[%get3A_128], %broadcast_in_dim3A_10 {add = true} : memref<10000xf32, #tpu.memory_space<vmem>>[vector<16xi32>], vector<16xf32>,
      %mul3A_129 = arith.constant 5 : i32
      %mul3A_130 = arith.muli %scan3A_119, %mul3A_129 : i32
      %add3A_131 = arith.constant 1 : i32
      %add3A_132 = arith.addi %mul3A_130, %add3A_131 : i32
      %mul3A_133 = arith.constant 16 : i32
      %mul3A_134 = arith.muli %add3A_132, %mul3A_133 : i32
      %get3A_135 = arith.index_cast %mul3A_134 : i32 to index
      %get3A_136 = tpu.vector_load %arg8[%get3A_135] {strides = array<i32>} : memref<2000xi32, #tpu.memory_space<vmem>>, vector<16xi32>,
      %get3A_137 = arith.index_cast %mul3A_134 : i32 to index
      %get3A_138 = tpu.vector_load %arg10[%get3A_137] {strides = array<i32>} : memref<2000xi32, #tpu.memory_space<vmem>>, vector<16xi32>,
      tpu.vector_store_idx %arg6[%get3A_136], %broadcast_in_dim3A_10 {add = true} : memref<10000xf32, #tpu.memory_space<vmem>>[vector<16xi32>], vector<16xf32>,
      tpu.vector_store_idx %arg7[%get3A_138], %broadcast_in_dim3A_10 {add = true} : memref<10000xf32, #tpu.memory_space<vmem>>[vector<16xi32>], vector<16xf32>,
      %mul3A_139 = arith.constant 5 : i32
      %mul3A_140 = arith.muli %scan3A_119, %mul3A_139 : i32
      %add3A_141 = arith.constant 2 : i32
      %add3A_142 = arith.addi %mul3A_140, %add3A_141 : i32
      %mul3A_143 = arith.constant 16 : i32
      %mul3A_144 = arith.muli %add3A_142, %mul3A_143 : i32
      %get3A_145 = arith.index_cast %mul3A_144 : i32 to index
      %get3A_146 = tpu.vector_load %arg8[%get3A_145] {strides = array<i32>} : memref<2000xi32, #tpu.memory_space<vmem>>, vector<16xi32>,
      %get3A_147 = arith.index_cast %mul3A_144 : i32 to index
      %get3A_148 = tpu.vector_load %arg10[%get3A_147] {strides = array<i32>} : memref<2000xi32, #tpu.memory_space<vmem>>, vector<16xi32>,
      tpu.vector_store_idx %arg6[%get3A_146], %broadcast_in_dim3A_10 {add = true} : memref<10000xf32, #tpu.memory_space<vmem>>[vector<16xi32>], vector<16xf32>,
      tpu.vector_store_idx %arg7[%get3A_148], %broadcast_in_dim3A_10 {add = true} : memref<10000xf32, #tpu.memory_space<vmem>>[vector<16xi32>], vector<16xf32>,
      %mul3A_149 = arith.constant 5 : i32
      %mul3A_150 = arith.muli %scan3A_119, %mul3A_149 : i32
      %add3A_151 = arith.constant 3 : i32
      %add3A_152 = arith.addi %mul3A_150, %add3A_151 : i32
      %mul3A_153 = arith.constant 16 : i32
      %mul3A_154 = arith.muli %add3A_152, %mul3A_153 : i32
      %get3A_155 = arith.index_cast %mul3A_154 : i32 to index
      %get3A_156 = tpu.vector_load %arg8[%get3A_155] {strides = array<i32>} : memref<2000xi32, #tpu.memory_space<vmem>>, vector<16xi32>,
      %get3A_157 = arith.index_cast %mul3A_154 : i32 to index
      %get3A_158 = tpu.vector_load %arg10[%get3A_157] {strides = array<i32>} : memref<2000xi32, #tpu.memory_space<vmem>>, vector<16xi32>,
      tpu.vector_store_idx %arg6[%get3A_156], %broadcast_in_dim3A_10 {add = true} : memref<10000xf32, #tpu.memory_space<vmem>>[vector<16xi32>], vector<16xf32>,
      tpu.vector_store_idx %arg7[%get3A_158], %broadcast_in_dim3A_10 {add = true} : memref<10000xf32, #tpu.memory_space<vmem>>[vector<16xi32>], vector<16xf32>,
      %mul3A_159 = arith.constant 5 : i32
      %mul3A_160 = arith.muli %scan3A_119, %mul3A_159 : i32
      %add3A_161 = arith.constant 4 : i32
      %add3A_162 = arith.addi %mul3A_160, %add3A_161 : i32
      %mul3A_163 = arith.constant 16 : i32
      %mul3A_164 = arith.muli %add3A_162, %mul3A_163 : i32
      %get3A_165 = arith.index_cast %mul3A_164 : i32 to index
      %get3A_166 = tpu.vector_load %arg8[%get3A_165] {strides = array<i32>} : memref<2000xi32, #tpu.memory_space<vmem>>, vector<16xi32>,
      %get3A_167 = arith.index_cast %mul3A_164 : i32 to index
      %get3A_168 = tpu.vector_load %arg10[%get3A_167] {strides = array<i32>} : memref<2000xi32, #tpu.memory_space<vmem>>, vector<16xi32>,
      tpu.vector_store_idx %arg6[%get3A_166], %broadcast_in_dim3A_10 {add = true} : memref<10000xf32, #tpu.memory_space<vmem>>[vector<16xi32>], vector<16xf32>,
      tpu.vector_store_idx %arg7[%get3A_168], %broadcast_in_dim3A_10 {add = true} : memref<10000xf32, #tpu.memory_space<vmem>>[vector<16xi32>], vector<16xf32>,
    }
    %scan3A_118 = arith.constant 25 : i32
    "tpu.region"() ({
      %run_scoped3A = tpu.sem_alloc : memref<!tpu.dma_semaphore, #tpu.memory_space<semaphore_mem>>
      %dma_start3A_119 = arith.constant 0 : i32
      %dma_start3A_120 = tpu.memref_slice %arg4[%add3A, %dma_start3A_119] : memref<32x10000xf32, #tpu.memory_space<hbm>> -> memref<1x10000xf32, #tpu.memory_space<hbm>>
      %dma_start3A_121 = tpu.memref_squeeze %dma_start3A_120 : memref<1x10000xf32, #tpu.memory_space<hbm>> -> memref<10000xf32, #tpu.memory_space<hbm>>
      %dma_start3A_122 = arith.constant 0 : i32
      %dma_start3A_123 = tpu.memref_slice %arg4[%add3A, %dma_start3A_122] : memref<32x10000xf32, #tpu.memory_space<hbm>> -> memref<1x10000xf32, #tpu.memory_space<hbm>>
      %dma_start3A_124 = tpu.memref_squeeze %dma_start3A_123 : memref<1x10000xf32, #tpu.memory_space<hbm>> -> memref<10000xf32, #tpu.memory_space<hbm>>
      tpu.enqueue_dma source(%arg6 : memref<10000xf32, #tpu.memory_space<vmem>>) target(%dma_start3A_124 : memref<10000xf32, #tpu.memory_space<hbm>>) target_semaphore(%run_scoped3A : memref<!tpu.dma_semaphore, #tpu.memory_space<semaphore_mem>>)
      %dma_wait3A_125 = arith.constant 0 : i32
      %dma_wait3A_126 = tpu.memref_slice %arg4[%add3A, %dma_wait3A_125] : memref<32x10000xf32, #tpu.memory_space<hbm>> -> memref<1x10000xf32, #tpu.memory_space<hbm>>
      %dma_wait3A_127 = tpu.memref_squeeze %dma_wait3A_126 : memref<1x10000xf32, #tpu.memory_space<hbm>> -> memref<10000xf32, #tpu.memory_space<hbm>>
      %dma_wait3A_128 = arith.constant 0 : i32
      %dma_wait3A_129 = tpu.memref_slice %arg4[%add3A, %dma_wait3A_128] : memref<32x10000xf32, #tpu.memory_space<hbm>> -> memref<1x10000xf32, #tpu.memory_space<hbm>>
      %dma_wait3A_130 = tpu.memref_squeeze %dma_wait3A_129 : memref<1x10000xf32, #tpu.memory_space<hbm>> -> memref<10000xf32, #tpu.memory_space<hbm>>
      tpu.wait_dma2 semaphore(%run_scoped3A : memref<!tpu.dma_semaphore, #tpu.memory_space<semaphore_mem>>) src(%arg6 : memref<10000xf32, #tpu.memory_space<vmem>>) dst(%dma_wait3A_130 : memref<10000xf32, #tpu.memory_space<hbm>>)
      tpu.yield
    }) : () -> ()
    "tpu.region"() ({
      %run_scoped3A = tpu.sem_alloc : memref<!tpu.dma_semaphore, #tpu.memory_space<semaphore_mem>>
      %dma_start3A_119 = arith.constant 0 : i32
      %dma_start3A_120 = tpu.memref_slice %arg5[%add3A, %dma_start3A_119] : memref<32x10000xf32, #tpu.memory_space<hbm>> -> memref<1x10000xf32, #tpu.memory_space<hbm>>
      %dma_start3A_121 = tpu.memref_squeeze %dma_start3A_120 : memref<1x10000xf32, #tpu.memory_space<hbm>> -> memref<10000xf32, #tpu.memory_space<hbm>>
      %dma_start3A_122 = arith.constant 0 : i32
      %dma_start3A_123 = tpu.memref_slice %arg5[%add3A, %dma_start3A_122] : memref<32x10000xf32, #tpu.memory_space<hbm>> -> memref<1x10000xf32, #tpu.memory_space<hbm>>
      %dma_start3A_124 = tpu.memref_squeeze %dma_start3A_123 : memref<1x10000xf32, #tpu.memory_space<hbm>> -> memref<10000xf32, #tpu.memory_space<hbm>>
      tpu.enqueue_dma source(%arg7 : memref<10000xf32, #tpu.memory_space<vmem>>) target(%dma_start3A_124 : memref<10000xf32, #tpu.memory_space<hbm>>) target_semaphore(%run_scoped3A : memref<!tpu.dma_semaphore, #tpu.memory_space<semaphore_mem>>)
      %dma_wait3A_125 = arith.constant 0 : i32
      %dma_wait3A_126 = tpu.memref_slice %arg5[%add3A, %dma_wait3A_125] : memref<32x10000xf32, #tpu.memory_space<hbm>> -> memref<1x10000xf32, #tpu.memory_space<hbm>>
      %dma_wait3A_127 = tpu.memref_squeeze %dma_wait3A_126 : memref<1x10000xf32, #tpu.memory_space<hbm>> -> memref<10000xf32, #tpu.memory_space<hbm>>
      %dma_wait3A_128 = arith.constant 0 : i32
      %dma_wait3A_129 = tpu.memref_slice %arg5[%add3A, %dma_wait3A_128] : memref<32x10000xf32, #tpu.memory_space<hbm>> -> memref<1x10000xf32, #tpu.memory_space<hbm>>
      %dma_wait3A_130 = tpu.memref_squeeze %dma_wait3A_129 : memref<1x10000xf32, #tpu.memory_space<hbm>> -> memref<10000xf32, #tpu.memory_space<hbm>>
      tpu.wait_dma2 semaphore(%run_scoped3A : memref<!tpu.dma_semaphore, #tpu.memory_space<semaphore_mem>>) src(%arg7 : memref<10000xf32, #tpu.memory_space<vmem>>) dst(%dma_wait3A_130 : memref<10000xf32, #tpu.memory_space<hbm>>)
      tpu.yield
    }) : () -> ()
    return
  }
}

module attributes {stable_mosaic.version = 14 : i64} {
  func.func @_xn_body(%arg0: memref<32x10000xf32, #tpu.memory_space<vmem>>, %arg1: memref<10000x128xf32, #tpu.memory_space<vmem>>, %arg2: memref<10000x128xf32, #tpu.memory_space<vmem>>) attributes {dimension_semantics = [], scalar_prefetch = 0 : i64, scratch_operands = 0 : i64, tpu.core_type = #tpu.core_type<tc>} {
    %get3A = arith.constant 0 : index
    %get3A_0 = arith.constant 0 : index
    %get3A_1 = vector.load %arg0[%get3A, %get3A_0] : memref<32x10000xf32, #tpu.memory_space<vmem>>, vector<32x10000xf32>
    %reduce_sum3A = arith.constant dense<0.000000e+00> : vector<10000xf32>
    %reduce_sum3A_2 = vector.multi_reduction <add>, %get3A_1, %reduce_sum3A [0] : vector<32x10000xf32> to vector<10000xf32>
    %max3A = arith.constant 1.000000e+00 : f32
    %max3A_3 = vector.broadcast %max3A : f32 to vector<10000xf32>
    %max3A_4 = arith.maximumf %reduce_sum3A_2, %max3A_3 : vector<10000xf32>
    %rsqrt3A = math.rsqrt %max3A_4 : vector<10000xf32>
    %get3A_5 = arith.constant 0 : index
    %get3A_6 = arith.constant 0 : index
    %get3A_7 = vector.load %arg1[%get3A_5, %get3A_6] : memref<10000x128xf32, #tpu.memory_space<vmem>>, vector<10000x128xf32>
    %broadcast_in_dim3A = vector.shape_cast %rsqrt3A : vector<10000xf32> to vector<10000x1xf32>
    %mul3A = vector.broadcast %broadcast_in_dim3A : vector<10000x1xf32> to vector<10000x128xf32>
    %mul3A_8 = arith.mulf %get3A_7, %mul3A : vector<10000x128xf32>
    %swap3A = arith.constant 0 : index
    %swap3A_9 = arith.constant 0 : index
    %swap3A_10 = vector.load %arg2[%swap3A, %swap3A_9] : memref<10000x128xf32, #tpu.memory_space<vmem>>, vector<10000x128xf32>
    tpu.vector_store %arg2[%swap3A, %swap3A_9], %mul3A_8 {strides = array<i32>} : memref<10000x128xf32, #tpu.memory_space<vmem>>, vector<10000x128xf32>,
    return
  }
}

module attributes {stable_mosaic.version = 14 : i64} {
  func.func @_out_body(%arg0: memref<20000x128xf32, #tpu.memory_space<vmem>>, %arg1: memref<32x10000xf32, #tpu.memory_space<vmem>>, %arg2: memref<128x128xf32, #tpu.memory_space<vmem>>, %arg3: memref<128xf32, #tpu.memory_space<vmem>>, %arg4: memref<10000x128xf32, #tpu.memory_space<vmem>>) attributes {dimension_semantics = [], scalar_prefetch = 0 : i64, scratch_operands = 0 : i64, tpu.core_type = #tpu.core_type<tc>} {
    %get3A = arith.constant 0 : index
    %get3A_0 = arith.constant 0 : index
    %get3A_1 = vector.load %arg1[%get3A, %get3A_0] : memref<32x10000xf32, #tpu.memory_space<vmem>>, vector<32x10000xf32>
    %reduce_sum3A = arith.constant dense<0.000000e+00> : vector<10000xf32>
    %reduce_sum3A_2 = vector.multi_reduction <add>, %get3A_1, %reduce_sum3A [0] : vector<32x10000xf32> to vector<10000xf32>
    %max3A = arith.constant 1.000000e+00 : f32
    %max3A_3 = vector.broadcast %max3A : f32 to vector<10000xf32>
    %max3A_4 = arith.maximumf %reduce_sum3A_2, %max3A_3 : vector<10000xf32>
    %rsqrt3A = math.rsqrt %max3A_4 : vector<10000xf32>
    %get3A_5 = arith.constant 0 : index
    %get3A_6 = arith.constant 0 : index
    %get3A_7 = vector.load %arg0[%get3A_5, %get3A_6] : memref<20000x128xf32, #tpu.memory_space<vmem>>, vector<10000x128xf32>
    %get3A_8 = arith.constant 10000 : index
    %get3A_9 = arith.constant 0 : index
    %get3A_10 = vector.load %arg0[%get3A_8, %get3A_9] : memref<20000x128xf32, #tpu.memory_space<vmem>>, vector<10000x128xf32>
    %add3A = arith.addf %get3A_7, %get3A_10 : vector<10000x128xf32>
    %broadcast_in_dim3A = vector.shape_cast %rsqrt3A : vector<10000xf32> to vector<10000x1xf32>
    %mul3A = vector.broadcast %broadcast_in_dim3A : vector<10000x1xf32> to vector<10000x128xf32>
    %mul3A_11 = arith.mulf %add3A, %mul3A : vector<10000x128xf32>
    %get3A_12 = arith.constant 0 : index
    %get3A_13 = arith.constant 0 : index
    %get3A_14 = vector.load %arg2[%get3A_12, %get3A_13] : memref<128x128xf32, #tpu.memory_space<vmem>>, vector<128x128xf32>
    %dot_general3A = arith.constant dense<0.000000e+00> : vector<10000x128xf32>
    %dot_general3A_15 = tpu.matmul %mul3A_11, %get3A_14, %dot_general3A {dimension_numbers = #tpu.dot_dimension_numbers<[1], [0], [0], [1], [0, 0, 1, 1], [], []>, transpose_lhs_hint = false} : vector<10000x128xf32>, vector<128x128xf32>, vector<10000x128xf32> -> vector<10000x128xf32>
    %get3A_16 = arith.constant 0 : index
    %get3A_17 = vector.load %arg3[%get3A_16] : memref<128xf32, #tpu.memory_space<vmem>>, vector<128xf32>
    %broadcast_in_dim3A_18 = vector.shape_cast %get3A_17 : vector<128xf32> to vector<1x128xf32>
    %add3A_19 = vector.broadcast %broadcast_in_dim3A_18 : vector<1x128xf32> to vector<10000x128xf32>
    %add3A_20 = arith.addf %dot_general3A_15, %add3A_19 : vector<10000x128xf32>
    %max3A_21 = arith.constant 0.000000e+00 : f32
    %max3A_22 = vector.broadcast %max3A_21 : f32 to vector<10000x128xf32>
    %max3A_23 = arith.maximumf %add3A_20, %max3A_22 : vector<10000x128xf32>
    %swap3A = arith.constant 0 : index
    %swap3A_24 = arith.constant 0 : index
    %swap3A_25 = vector.load %arg4[%swap3A, %swap3A_24] : memref<10000x128xf32, #tpu.memory_space<vmem>>, vector<10000x128xf32>
    tpu.vector_store %arg4[%swap3A, %swap3A_24], %max3A_23 {strides = array<i32>} : memref<10000x128xf32, #tpu.memory_space<vmem>>, vector<10000x128xf32>,
    return
  }
}

</mosaic_0001>

<sc_bundles>
// kernel: kernel.6.cloned.1.call-start
scs
__scs_entry_jumppad:
0x0: {  	(pc) =	sbr.rel $0x88, $3  }
0x1: {  	(tag) =	ssettag $0x0;
	lr =	simm.s32 $0x1  }
0x2: {  	[smem:$0x3F9C] =	sst lr;
	_ =	strace $0xD0000000  }
0x3: {  	_ = 	snop  }
0x4: {  	_ = 	snop  }
0x5: {  	_ = 	snop  }
0x6: {  	_ = 	snop  }
0x7: {  	_ = 	snop  }
__scs_overlays_trampoline_lowered:
0x8: {  	[smem:$0x3FAB] =	sst s0  }
0x9: {  	[smem:$0x3FAC] =	sst s1  }
0xa: {  	[smem:$0x3FAD] =	sst s2  }
0xb: {  	[smem:$0x3FAE] =	sst s3  }
0xc: {  	[smem:$0x3FAF] =	sst s4  }
0xd: {  	[smem:$0x3FB0] =	sst s5  }
0xe: {  	[smem:$0x3FB1] =	sst s6  }
0xf: {  	[smem:$0x3FB2] =	sst s7  }
0x10: {  	[smem:$0x3FB3] =	sst s8  }
0x11: {  	[smem:$0x3FB4] =	sst s9;
	s0 =	simm.s32 @!p0 $0x0  }
0x12: {  	s1 =	sld [smem:$0x3F9A];
	s0 =	simm.s32 @p0 $0x1  }
0x13: {  	[smem:$0x3FB5] =	sst s0;
	s0 =	simm.s32 @!p1 $0x0  }
0x14: {  	s2 =	sld [smem:$0x3F99];
	s0 =	simm.s32 @p1 $0x1  }
0x15: {  	[smem:$0x3FB6] =	sst s0;
	s0 =	simm.s32 @!p2 $0x0  }
0x16: {  	s3 =	sld [smem:$0x3FDB];
	s0 =	simm.s32 @p2 $0x1  }
0x17: {  	s4 =	simm.s32 $0x1BF5;
	[smem:$0x3FB8] =	sst s0  }
0x18: {  	s0 =	sld [smem:$0x3F9B];
	_ =	swait.ge [sflag:s4], $0x0  }
0x19: {  	s7 =	sld [smem:$0x3F9C]  }
0x1a: {  	s8 =	sadd.s32 $0xFFFFE003, lr  }
0x1b: {  	s9 =	sadd.s32 $0xFFFFFEF7, lr;
	s5 =	simm.s32 $0xFFFFFFFF;
	p2 =	slt.u32 s8, $0xFFFFF086  }
0x1c: {  	p1 =	slt.u32 s9, $0xF7A;
	s5 =	simm.s32 @!p2 $0x0  }
0x1d: {  	s5 =	simm.s32 @p1 $0x1;
	p0 =	seq.s32 s7, s2  }
0x1e: {  	s7 =	smul.u32 @!p0 $0xF7A, s2;
	p2 =	seq.s32 @!p0 s5, $0x0  }
0x1f: {  	s9 =	smul.u32 $0xF7A, s1;
	s8 =	simm.s32 @!p0 $0x1BF5;
	p2 =	por !p2, p0  }
0x20: {  	[sflag:s8] =	ssyncset.s32 @!p0 $0xFFFFF086;
	s6 =	sadd.s32 @!p0 s3, s7;
	s7 =	simm.s32 @!p0 $0x108  }
0x21: {  	s3 =	sadd.s32 s3, s9;
	s6 =	sadd.s32 @!p0 $0x88, s6;
	s7 =	simm.s32 @p2 $0x1082  }
0x22: {  	[simem:s7], [sflag:s8] =	dma.local @!p0 [hbm:s6], $0xF7A  }
0x23: {  	s9 =	sor.u32 $0xD0000000, s2;
	s6 =	simm.s32 $0x108;
	_ =	swait.ge @!p0 [sflag:s8], $0x0  }
0x24: {  	s3 =	sadd.s32 $0x88, s3;
	s6 =	simm.s32 @!p1 $0x1082;
	[sflag:s4] =	ssyncset.s32 $0xFFFFF086  }
0x25: {  	[simem:s6], [sflag:s4] =	dma.local [hbm:s3], $0xF7A  }
0x26: {  	[smem:$0x3F9C] =	sst s1;
	(tag) =	ssettag s2;
	_ =	strace s9  }
0x27: {  	s1 =	sld [smem:$0x3FAC]  }
0x28: {  	s2 =	sld [smem:$0x3FAD]  }
0x29: {  	s4 =	sld [smem:$0x3FAF]  }
0x2a: {  	p0 =	seq.s32 s5, $0x0;
	s5 =	sld [smem:$0x3FB0]  }
0x2b: {  	s6 =	sld [smem:$0x3FB1]  }
0x2c: {  	s7 =	sld [smem:$0x3FB2]  }
0x2d: {  	s3 =	simm.s32 $0x108;
	s8 =	sld [smem:$0x3FB3]  }
0x2e: {  	s3 =	simm.s32 @!p0 $0x1082;
	s9 =	sld [smem:$0x3FB4]  }
0x2f: {  	lr =	sadd.s32 s0, s3;
	s0 =	sld [smem:$0x3FAB]  }
0x30: {  	s3 =	sld [smem:$0x3FAE]  }
0x31: {  	[smem:$0x3FB7] =	sst s10  }
0x32: {  	s10 =	sld [smem:$0x3FB5];
	_ =	sdelay $0x3  }
0x33: {  	p0 =	seq.s32 s10, $0x1;
	s10 =	sld [smem:$0x3FB7];
	_ =	sdelay $0x3  }
0x34: {  	[smem:$0x3FB7] =	sst s10  }
0x35: {  	s10 =	sld [smem:$0x3FB6];
	_ =	sdelay $0x3  }
0x36: {  	p1 =	seq.s32 s10, $0x1;
	s10 =	sld [smem:$0x3FB7];
	_ =	sdelay $0x3  }
0x37: {  	[smem:$0x3FB7] =	sst s10  }
0x38: {  	s10 =	sld [smem:$0x3FB8]  }
0x39: {  	_ = 	snop;
	(pc) =	sbr.ind lr, $3  }
0x3a: {  	_ = 	snop  }
0x3b: {  	_ = 	snop  }
0x3c: {  	p2 =	seq.s32 s10, $0x1;
	s10 =	sld [smem:$0x3FB7]  }
0x3d: {  	_ =	shalt  }
0x3e: {  	_ =	shalt  }
0x3f: {  	_ =	shalt  }
0x40: {  	_ =	shalt  }
0x41: {  	_ =	shalt  }
0x42: {  	_ =	shalt  }
0x43: {  	_ =	shalt  }
0x44: {  	_ =	shalt  }
0x45: {  	_ =	shalt  }
0x46: {  	_ =	shalt  }
0x47: {  	_ =	shalt  }
0x48: {  	_ =	shalt  }
0x49: {  	_ =	shalt  }
0x4a: {  	_ =	shalt  }
0x4b: {  	_ =	shalt  }
0x4c: {  	_ =	shalt  }
0x4d: {  	_ =	shalt  }
0x4e: {  	_ =	shalt  }
0x4f: {  	_ =	shalt  }
0x50: {  	_ =	shalt  }
0x51: {  	_ =	shalt  }
0x52: {  	_ =	shalt  }
0x53: {  	_ =	shalt  }
0x54: {  	_ =	shalt  }
0x55: {  	_ =	shalt  }
0x56: {  	_ =	shalt  }
0x57: {  	_ =	shalt  }
0x58: {  	_ =	shalt  }
0x59: {  	_ =	shalt  }
0x5a: {  	_ =	shalt  }
0x5b: {  	_ =	shalt  }
0x5c: {  	_ =	shalt  }
0x5d: {  	_ =	shalt  }
0x5e: {  	_ =	shalt  }
0x5f: {  	_ =	shalt  }
0x60: {  	_ =	shalt  }
0x61: {  	_ =	shalt  }
0x62: {  	_ =	shalt  }
0x63: {  	_ =	shalt  }
0x64: {  	_ =	shalt  }
0x65: {  	_ =	shalt  }
0x66: {  	_ =	shalt  }
0x67: {  	_ =	shalt  }
0x68: {  	_ =	shalt  }
0x69: {  	_ =	shalt  }
0x6a: {  	_ =	shalt  }
0x6b: {  	_ =	shalt  }
0x6c: {  	_ =	shalt  }
0x6d: {  	_ =	shalt  }
0x6e: {  	_ =	shalt  }
0x6f: {  	_ =	shalt  }
0x70: {  	_ =	shalt  }
0x71: {  	_ =	shalt  }
0x72: {  	_ =	shalt  }
0x73: {  	_ =	shalt  }
0x74: {  	_ =	shalt  }
0x75: {  	_ =	shalt  }
0x76: {  	_ =	shalt  }
0x77: {  	_ =	shalt  }
0x78: {  	_ =	shalt  }
0x79: {  	_ =	shalt  }
0x7a: {  	_ =	shalt  }
0x7b: {  	_ =	shalt  }
0x7c: {  	_ =	shalt  }
0x7d: {  	_ =	shalt  }
0x7e: {  	_ =	shalt  }
0x7f: {  	_ =	shalt  }
0x80: {  	_ =	shalt  }
0x81: {  	_ =	shalt  }
0x82: {  	_ =	shalt  }
0x83: {  	_ =	shalt  }
0x84: {  	_ =	shalt  }
0x85: {  	_ =	shalt  }
0x86: {  	_ =	shalt  }
0x87: {  	_ =	shalt  }
.Lfunc_end0:
.L_simem_size_0:
called_computation_lowered:
.L_overlay_start_0:
0x88: {  	s2 =	sld [smem:$0x3FD9]  }
0x89: {  	s3 =	sld [smem:$0x3FFE];
	_ =	sdelay $0x1  }
0x8a: {  	s1 =	srdreg.scid  }
0x8b: {  	s0 =	sand.u32 $0x1, s1  }
0x8c: {  	s17 =	sshll.u32 s0, $0xA;
	s2 =	sadd.s32 s3, s2  }
0x8d: {  	s2 =	sadd.s32 s2, s17  }
0x8e: {  	[smem:$0x3FC3] =	sst s2  }
0x8f: {  	_ = 	snop  }
0x90: {  	s2 =	sld [smem:$0x3FC8]  }
0x91: {  	s18 =	sld [smem:$0x3FC7]  }
0x92: {  	s4 =	sld [smem:$0x3FD0];
	(tm) =	ssettm $0x1  }
0x93: {  	s5 =	sld [smem:$0x3FFB];
	_ =	sdelay $0x3  }
0x94: {  	_ =	strace s5  }
0x95: {  	s5 =	sld [smem:$0x3FFC];
	_ =	sdelay $0x3  }
0x96: {  	_ =	strace s5  }
0x97: {  	s5 =	sld [smem:$0x3FFD];
	_ =	sdelay $0x3  }
0x98: {  	_ =	strace s5  }
0x99: {  	_ =	strace $0x8FFFFFFF  }
0x9a: {  	s19 =	sld [smem:$0x3FDB];
	_ =	sdelay $0x1  }
0x9b: {  	s6 =	simm.s32 $_scs_section_size  }
0x9c: {  	s7 =	simm.s32 $_size__tile_overlayer_lowered;
	s8 =	simm.s32 $_tile_overlayer_lowered  }
0x9d: {  	s22 =	simm.s32 $0x1BFF;
	s21 =	sshll.u32 s8, $0x1;
	s5 =	sadd.s32 s6, s19  }
0x9e: {  	s9 =	simm.s32 $0x0;
	s20 =	sshll.u32 s7, $0x1;
	s7 =	sadd.s32 s21, s5  }
0x9f: {  	[timem:s9], [sflag:s22] =	dma.local [hbm:s7], s20  }
0xa0: {  	_ =	swait.ge [sflag:s22], s20  }
0xa1: {  	s6 =	ssub.s32 $0x0, s20;
	[sflag:s22] =	ssyncset.done $0x0  }
0xa2: {  	[sflag:s22] =	ssyncadd.s32 s6;
	_ =	sdelay $0x1  }
0xa3: {  	s23 =	simm.s32 $0x1B8B  }
0xa4: {  	_ =	swait.ge [sflag:s23], $0x1  }
0xa5: {  	[sflag:s23] =	ssyncset.done $0x0  }
0xa6: {  	s25 =	simm.s32 $0x1B8E;
	s24 =	sld [smem:$0x3FFE];
	[sflag:s23] =	ssyncadd.s32 $0xFFFFFFFF  }
0xa7: {  	s26 =	simm.s32 $execute0_lowered;
	[smem:$0x3FD2] =	sst s25  }
0xa8: {  	s7 =	sshll.u32 s26, $0x1;
	_ =	strace $0x80000046;
	[dreg:$0x1] =	wrdreg $0xFFFFFFFF  }
0xa9: {  	s28 =	simm.s32 $_size_execute0_lowered;
	s5 =	sadd.s32 s5, s7;
	[dreg:$0x0] =	wrdreg $0x0  }
0xaa: {  	s7 =	sshll.u32 s28, $0x1;
	[dreg:$0x2] =	wrdreg s5  }
0xab: {  	[dreg:$0x3] =	wrdreg s7  }
0xac: {  	[dreg:$0x4] =	wrdreg $0xC0  }
0xad: {  	_ =	task [dreg:s9], $0x5FFFF  }
0xae: {  	[dreg:$0x1] =	wrdreg $0xFFFFFFFF  }
0xaf: {  	[dreg:$0x0] =	wrdreg $0x60  }
0xb0: {  	[dreg:$0x2] =	wrdreg s2  }
0xb1: {  	[dreg:$0x3] =	wrdreg s18  }
0xb2: {  	[dreg:$0x4] =	wrdreg s4  }
0xb3: {  	[dreg:$0x5] =	wrdreg s24  }
0xb4: {  	[dreg:$0x6] =	wrdreg $0x9  }
0xb5: {  	_ =	task.clear_ibuf [dreg:s9], $0x7FFFF;
	_ =	strace $0x90000046  }
0xb6: {  	s29 =	simm.s32 $0x9;
	_ =	strace $0x80000048  }
0xb7: {  	_ =	swait.ge [sflag:s29], $0x1  }
0xb8: {  	[sflag:s29] =	ssyncadd.s32 $0xFFFFFFFF  }
0xb9: {  	_ =	strace $0x90000048  }
0xba: {  	_ =	sfence  }
0xbb: {  	s30 =	sld [smem:$0x0];
	_ =	sdelay $0x2  }
0xbc: {  	s31 =	sshll.u32 s1, $0xD;
	s1 =	sshrl.u32 s1, $0x2  }
0xbd: {  	s3 =	sand.u32 $0x4000, s31;
	s1 =	sadd.s32 s1, s30  }
0xbe: {  	s0 =	sor.u32 s3, s0;
	s1 =	sshll.u32 s1, $0x11  }
0xbf: {  	s0 =	sor.u32 s1, s0  }
0xc0: {  	s0 =	sadd.s32 $0x8F2B, s0  }
0xc1: {  	[sflag:s0] =	ssyncadd.remote.s32 $0x1  }
0xc2: {  	_ =	sfence.sel $0xFFFF  }
0xc3: {  	[dreg:$0x0] =	wrdreg $0xFFFFFFFF;
	(pc) =	sbr.abs _section_cstart, $3  }
0xc4: {  	[dreg:$0x1] =	wrdreg $0xFFFFFFFF  }
0xc5: {  	_ =	task.clear_ibuf [dreg:s9], $0x2FFFF;
	_ =	strace $0x9FFFFFFF  }
0xc6: {  	(tm) =	ssettm $0x7FFFFFFF  }
0xc7: {  	_ =	shalt  }
tec
execute0_lowered:
.L_overlay_start_1:
0x0: {  	(tag) =	ssettag $0x1  }
0x1: {  	s11 =	rddreg [dreg:$0x0]  }
0x2: {  	s12 =	rddreg [dreg:$0x1]  }
0x3: {  	s1 =	srdreg.scid;
	s13 =	rddreg [dreg:$0x2]  }
0x4: {  	s0 =	stileid.u32;
	s4 =	rddreg [dreg:$0x3]  }
0x5: {  	s2 =	simm.s32 $0x0;
	s18 =	simm.s32 $0x55F0;
	s19 =	simm.s32 $0x6590  }
0x6: {  	s20 =	simm.s32 $0x1;
	s3 =	sand.u32 $0x1, s1;
	s30 =	sshll.u32 s0, $0x1  }
0x7: {  	s21 =	simm.s32 $0x2710;
	s22 =	simm.s32 $0x2;
	s1 =	sor.u32 s3, s30  }
0x8: {  	s23 =	simm.s32 $0x3;
	[smem:$0x7FF] =	sst s2;
	s5 =	smul.u32 $0x2710, s1  }
0x9: {  	s24 =	simm.s32 $0x0;
	s3 =	ssub.s32 $0x2, s3;
	s1 =	rddreg [dreg:$0x4]  }
0xa: {  	_ =	strace $0x80000047;
	s31 =	sshrl.u32 s3, $0x1;
	s14 =	sshrl.u32 s5, $0x3  }
0xb: {  	s16 =	ssub.s32 s3, s31;
	s15 =	sadd.s32 s14, s4;
	s3 =	sadd.s32 s11, s14  }
0xc: {  	s6 =	sadd.s32 $0xFA, s14;
	s4 =	sadd.s32 s12, s14;
	s8 =	sadd.s32 $0x1F4, s14  }
0xd: {  	s10 =	sadd.s32 $0x2EE, s14;
	s17 =	sadd.s32 $0x3E8, s14;
	s13 =	sadd.s32 s13, s14  }
0xe: {  	s5 =	sadd.s32 s11, s6;
	s6 =	sadd.s32 s12, s6;
	s7 =	sadd.s32 s11, s8  }
0xf: {  	s8 =	sadd.s32 s12, s8;
	s9 =	sadd.s32 s11, s10;
	s10 =	sadd.s32 s12, s10  }
0x10: {  	s11 =	sadd.s32 s11, s17;
	s12 =	sadd.s32 s12, s17;
	s14 =	sadd.s32 $0x1E00, s15  }
0x11: {  	v0 =	vimm.f32 $0.0e+00;
	v1 =	vimm.f32 $1.000000000e+00;
	s15 =	smax.u32 s16, $0x1;
	s16 =	simm.s32 $0x4E20;
	s17 =	simm.s32 $0x5DC0  }
.LBB2_1:
0x12: {  	s25 =	simm.s32 $0x40;
	s26 =	simm.s32 $0x0  }
.LBB2_2:
0x13: {  	p0 =	sne.s32 s25, $0x9C00;
	[tilespmem:s26+$0x0] =	vst v0;
	s28 =	smov.u32 s25;
	s25 =	sadd.s32 $0x40, s25  }
.Ltmp0:
0x14: {  	[tilespmem:s26+$0x2710] =	vst v0;
	(pc) =	sbr.rel @p0 .LBB2_2-.Ltmp0, $2  }
0x15: {  	_ =	sdelay $0x2  }
0x16: {  	s26 =	sshra.s32 s28, $0x2  }
0x17: {  	[tilespmem:s26+$0x0] =	vst v0  }
0x18: {  	[tilespmem:s26+$0x2710] =	vst v0;
	s25 =	simm.s32 $0x0  }
0x19: {  	[tilespmem:s16], [sflag:$0x1] =	stream.linear.gather [hbm4b:s3+s25], $0x7D0, $0x38;
	[tilespmem:$0x6D60] =	vst v63  }
0x1a: {  	_ = 	snop  }
0x1b: {  	[tilespmem:s17], [sflag:$0x1] =	stream.linear.gather [hbm4b:s4+s25], $0x7D0, $0x38;
	[tilespmem:$0x6D60] =	vst v63  }
0x1c: {  	_ = 	snop  }
0x1d: {  	[tilespmem:s18], [sflag:$0x2] =	stream.linear.gather [hbm4b:s5+s25], $0x7D0, $0x38;
	[tilespmem:$0x6D60] =	vst v63  }
0x1e: {  	_ = 	snop  }
0x1f: {  	[tilespmem:s19], [sflag:$0x2] =	stream.linear.gather [hbm4b:s6+s25], $0x7D0, $0x38;
	[tilespmem:$0x6D60] =	vst v63  }
0x20: {  	_ =	swait.ge [sflag:s20], $0x7D0  }
0x21: {  	[sflag:s20] =	ssyncset.done $0x0  }
0x22: {  	[sflag:s20] =	ssyncadd.s32 $0xFFFFF830  }
0x23: {  	_ =	swait.ge [sflag:s20], $0x7D0  }
0x24: {  	[sflag:s20] =	ssyncset.done $0x0  }
0x25: {  	[sflag:s20] =	ssyncadd.s32 $0xFFFFF830  }
.LBB2_4:
0x26: {  	s26 =	sshra.s32 s25, $0x2  }
0x27: {  	v2 =	vld [tilespmem:s26+$0x4E20]  }
0x28: {  	v3 =	vld [tilespmem:s26+$0x5DC0];
	_ =	sdelay $0x6  }
0x29: {  	[tilespmem:v2+s2+$0x0] =	vst.idx.add.f32.msk $0xffff, v1  }
0x2a: {  	[tilespmem:v3+s21+$0x0] =	vst.idx.add.f32.msk $0xffff, v1  }
0x2b: {  	v2 =	vld [tilespmem:s26+$0x4E30]  }
0x2c: {  	v3 =	vld [tilespmem:s26+$0x5DD0];
	_ =	sdelay $0x6  }
0x2d: {  	[tilespmem:v2+s2+$0x0] =	vst.idx.add.f32.msk $0xffff, v1  }
0x2e: {  	[tilespmem:v3+s21+$0x0] =	vst.idx.add.f32.msk $0xffff, v1  }
0x2f: {  	v2 =	vld [tilespmem:s26+$0x4E40]  }
0x30: {  	v3 =	vld [tilespmem:s26+$0x5DE0];
	_ =	sdelay $0x6  }
0x31: {  	[tilespmem:v2+s2+$0x0] =	vst.idx.add.f32.msk $0xffff, v1  }
0x32: {  	[tilespmem:v3+s21+$0x0] =	vst.idx.add.f32.msk $0xffff, v1  }
0x33: {  	v2 =	vld [tilespmem:s26+$0x4E50]  }
0x34: {  	v3 =	vld [tilespmem:s26+$0x5DF0];
	_ =	sdelay $0x6  }
0x35: {  	[tilespmem:v2+s2+$0x0] =	vst.idx.add.f32.msk $0xffff, v1  }
0x36: {  	[tilespmem:v3+s21+$0x0] =	vst.idx.add.f32.msk $0xffff, v1  }
0x37: {  	v2 =	vld [tilespmem:s26+$0x4E60]  }
0x38: {  	v3 =	vld [tilespmem:s26+$0x5E00];
	_ =	sdelay $0x2  }
0x39: {  	p0 =	sne.s32 s25, $0x1E00  }
.Ltmp1:
0x3a: {  	_ = 	snop;
	(pc) =	sbr.rel @p0 .LBB2_4-.Ltmp1, $3  }
0x3b: {  	_ =	sdelay $0x1  }
0x3c: {  	[tilespmem:v2+s2+$0x0] =	vst.idx.add.f32.msk $0xffff, v1  }
0x3d: {  	s25 =	sadd.s32 $0x140, s25;
	[tilespmem:v3+s21+$0x0] =	vst.idx.add.f32.msk $0xffff, v1  }
0x3e: {  	s25 =	simm.s32 $0x0  }
0x3f: {  	[tilespmem:s16], [sflag:$0x1] =	stream.linear.gather [hbm4b:s7+s25], $0x7D0, $0x38;
	[tilespmem:$0x6D60] =	vst v63  }
0x40: {  	_ = 	snop  }
0x41: {  	[tilespmem:s17], [sflag:$0x1] =	stream.linear.gather [hbm4b:s8+s25], $0x7D0, $0x38;
	[tilespmem:$0x6D60] =	vst v63  }
0x42: {  	_ =	swait.ge [sflag:s22], $0x7D0  }
0x43: {  	[sflag:s22] =	ssyncset.done $0x0  }
0x44: {  	[sflag:s22] =	ssyncadd.s32 $0xFFFFF830  }
0x45: {  	_ =	swait.ge [sflag:s22], $0x7D0  }
0x46: {  	[sflag:s22] =	ssyncset.done $0x0  }
0x47: {  	[sflag:s22] =	ssyncadd.s32 $0xFFFFF830  }
.LBB2_6:
0x48: {  	s26 =	sshra.s32 s25, $0x2  }
0x49: {  	v2 =	vld [tilespmem:s26+$0x55F0]  }
0x4a: {  	v3 =	vld [tilespmem:s26+$0x6590];
	_ =	sdelay $0x6  }
0x4b: {  	[tilespmem:v2+s2+$0x0] =	vst.idx.add.f32.msk $0xffff, v1  }
0x4c: {  	[tilespmem:v3+s21+$0x0] =	vst.idx.add.f32.msk $0xffff, v1  }
0x4d: {  	v2 =	vld [tilespmem:s26+$0x5600]  }
0x4e: {  	v3 =	vld [tilespmem:s26+$0x65A0];
	_ =	sdelay $0x6  }
0x4f: {  	[tilespmem:v2+s2+$0x0] =	vst.idx.add.f32.msk $0xffff, v1  }
0x50: {  	[tilespmem:v3+s21+$0x0] =	vst.idx.add.f32.msk $0xffff, v1  }
0x51: {  	v2 =	vld [tilespmem:s26+$0x5610]  }
0x52: {  	v3 =	vld [tilespmem:s26+$0x65B0];
	_ =	sdelay $0x6  }
0x53: {  	[tilespmem:v2+s2+$0x0] =	vst.idx.add.f32.msk $0xffff, v1  }
0x54: {  	[tilespmem:v3+s21+$0x0] =	vst.idx.add.f32.msk $0xffff, v1  }
0x55: {  	v2 =	vld [tilespmem:s26+$0x5620]  }
0x56: {  	v3 =	vld [tilespmem:s26+$0x65C0];
	_ =	sdelay $0x6  }
0x57: {  	[tilespmem:v2+s2+$0x0] =	vst.idx.add.f32.msk $0xffff, v1  }
0x58: {  	[tilespmem:v3+s21+$0x0] =	vst.idx.add.f32.msk $0xffff, v1  }
0x59: {  	v2 =	vld [tilespmem:s26+$0x5630]  }
0x5a: {  	v3 =	vld [tilespmem:s26+$0x65D0];
	_ =	sdelay $0x2  }
0x5b: {  	p0 =	sne.s32 s25, $0x1E00  }
.Ltmp2:
0x5c: {  	_ = 	snop;
	(pc) =	sbr.rel @p0 .LBB2_6-.Ltmp2, $3  }
0x5d: {  	_ =	sdelay $0x1  }
0x5e: {  	[tilespmem:v2+s2+$0x0] =	vst.idx.add.f32.msk $0xffff, v1  }
0x5f: {  	s25 =	sadd.s32 $0x140, s25;
	[tilespmem:v3+s21+$0x0] =	vst.idx.add.f32.msk $0xffff, v1  }
0x60: {  	s25 =	simm.s32 $0x0  }
0x61: {  	[tilespmem:s18], [sflag:$0x2] =	stream.linear.gather [hbm4b:s9+s25], $0x7D0, $0x38;
	[tilespmem:$0x6D60] =	vst v63  }
0x62: {  	_ = 	snop  }
0x63: {  	[tilespmem:s19], [sflag:$0x2] =	stream.linear.gather [hbm4b:s10+s25], $0x7D0, $0x38;
	[tilespmem:$0x6D60] =	vst v63  }
0x64: {  	_ =	swait.ge [sflag:s20], $0x7D0  }
0x65: {  	[sflag:s20] =	ssyncset.done $0x0  }
0x66: {  	[sflag:s20] =	ssyncadd.s32 $0xFFFFF830  }
0x67: {  	_ =	swait.ge [sflag:s20], $0x7D0  }
0x68: {  	[sflag:s20] =	ssyncset.done $0x0  }
0x69: {  	[sflag:s20] =	ssyncadd.s32 $0xFFFFF830  }
.LBB2_8:
0x6a: {  	s26 =	sshra.s32 s25, $0x2  }
0x6b: {  	v2 =	vld [tilespmem:s26+$0x4E20]  }
0x6c: {  	v3 =	vld [tilespmem:s26+$0x5DC0];
	_ =	sdelay $0x6  }
0x6d: {  	[tilespmem:v2+s2+$0x0] =	vst.idx.add.f32.msk $0xffff, v1  }
0x6e: {  	[tilespmem:v3+s21+$0x0] =	vst.idx.add.f32.msk $0xffff, v1  }
0x6f: {  	v2 =	vld [tilespmem:s26+$0x4E30]  }
0x70: {  	v3 =	vld [tilespmem:s26+$0x5DD0];
	_ =	sdelay $0x6  }
0x71: {  	[tilespmem:v2+s2+$0x0] =	vst.idx.add.f32.msk $0xffff, v1  }
0x72: {  	[tilespmem:v3+s21+$0x0] =	vst.idx.add.f32.msk $0xffff, v1  }
0x73: {  	v2 =	vld [tilespmem:s26+$0x4E40]  }
0x74: {  	v3 =	vld [tilespmem:s26+$0x5DE0];
	_ =	sdelay $0x6  }
0x75: {  	[tilespmem:v2+s2+$0x0] =	vst.idx.add.f32.msk $0xffff, v1  }
0x76: {  	[tilespmem:v3+s21+$0x0] =	vst.idx.add.f32.msk $0xffff, v1  }
0x77: {  	v2 =	vld [tilespmem:s26+$0x4E50]  }
0x78: {  	v3 =	vld [tilespmem:s26+$0x5DF0];
	_ =	sdelay $0x6  }
0x79: {  	[tilespmem:v2+s2+$0x0] =	vst.idx.add.f32.msk $0xffff, v1  }
0x7a: {  	[tilespmem:v3+s21+$0x0] =	vst.idx.add.f32.msk $0xffff, v1  }
0x7b: {  	v2 =	vld [tilespmem:s26+$0x4E60]  }
0x7c: {  	v3 =	vld [tilespmem:s26+$0x5E00];
	_ =	sdelay $0x2  }
0x7d: {  	p0 =	sne.s32 s25, $0x1E00  }
.Ltmp3:
0x7e: {  	_ = 	snop;
	(pc) =	sbr.rel @p0 .LBB2_8-.Ltmp3, $3  }
0x7f: {  	_ =	sdelay $0x1  }
0x80: {  	[tilespmem:v2+s2+$0x0] =	vst.idx.add.f32.msk $0xffff, v1  }
0x81: {  	s25 =	sadd.s32 $0x140, s25;
	[tilespmem:v3+s21+$0x0] =	vst.idx.add.f32.msk $0xffff, v1  }
0x82: {  	s25 =	simm.s32 $0x0  }
0x83: {  	[tilespmem:s16], [sflag:$0x1] =	stream.linear.gather [hbm4b:s11+s25], $0x7D0, $0x38;
	[tilespmem:$0x6D60] =	vst v63  }
0x84: {  	_ = 	snop  }
0x85: {  	[tilespmem:s17], [sflag:$0x1] =	stream.linear.gather [hbm4b:s12+s25], $0x7D0, $0x38;
	[tilespmem:$0x6D60] =	vst v63  }
0x86: {  	_ =	swait.ge [sflag:s22], $0x7D0  }
0x87: {  	[sflag:s22] =	ssyncset.done $0x0  }
0x88: {  	[sflag:s22] =	ssyncadd.s32 $0xFFFFF830  }
0x89: {  	_ =	swait.ge [sflag:s22], $0x7D0  }
0x8a: {  	[sflag:s22] =	ssyncset.done $0x0  }
0x8b: {  	[sflag:s22] =	ssyncadd.s32 $0xFFFFF830  }
.LBB2_10:
0x8c: {  	s26 =	sshra.s32 s25, $0x2  }
0x8d: {  	v2 =	vld [tilespmem:s26+$0x55F0]  }
0x8e: {  	v3 =	vld [tilespmem:s26+$0x6590];
	_ =	sdelay $0x6  }
0x8f: {  	[tilespmem:v2+s2+$0x0] =	vst.idx.add.f32.msk $0xffff, v1  }
0x90: {  	[tilespmem:v3+s21+$0x0] =	vst.idx.add.f32.msk $0xffff, v1  }
0x91: {  	v2 =	vld [tilespmem:s26+$0x5600]  }
0x92: {  	v3 =	vld [tilespmem:s26+$0x65A0];
	_ =	sdelay $0x6  }
0x93: {  	[tilespmem:v2+s2+$0x0] =	vst.idx.add.f32.msk $0xffff, v1  }
0x94: {  	[tilespmem:v3+s21+$0x0] =	vst.idx.add.f32.msk $0xffff, v1  }
0x95: {  	v2 =	vld [tilespmem:s26+$0x5610]  }
0x96: {  	v3 =	vld [tilespmem:s26+$0x65B0];
	_ =	sdelay $0x6  }
0x97: {  	[tilespmem:v2+s2+$0x0] =	vst.idx.add.f32.msk $0xffff, v1  }
0x98: {  	[tilespmem:v3+s21+$0x0] =	vst.idx.add.f32.msk $0xffff, v1  }
0x99: {  	v2 =	vld [tilespmem:s26+$0x5620]  }
0x9a: {  	v3 =	vld [tilespmem:s26+$0x65C0];
	_ =	sdelay $0x6  }
0x9b: {  	[tilespmem:v2+s2+$0x0] =	vst.idx.add.f32.msk $0xffff, v1  }
0x9c: {  	[tilespmem:v3+s21+$0x0] =	vst.idx.add.f32.msk $0xffff, v1  }
0x9d: {  	v2 =	vld [tilespmem:s26+$0x5630]  }
0x9e: {  	v3 =	vld [tilespmem:s26+$0x65D0];
	_ =	sdelay $0x2  }
0x9f: {  	p0 =	sne.s32 s25, $0x1E00  }
.Ltmp4:
0xa0: {  	_ = 	snop;
	(pc) =	sbr.rel @p0 .LBB2_10-.Ltmp4, $3  }
0xa1: {  	_ =	sdelay $0x1  }
0xa2: {  	[tilespmem:v2+s2+$0x0] =	vst.idx.add.f32.msk $0xffff, v1  }
0xa3: {  	s25 =	sadd.s32 $0x140, s25;
	[tilespmem:v3+s21+$0x0] =	vst.idx.add.f32.msk $0xffff, v1  }
0xa4: {  	_ =	swait.ge [sflag:s20], $0x7D0  }
0xa5: {  	[sflag:s20] =	ssyncset.done $0x0  }
0xa6: {  	[sflag:s20] =	ssyncadd.s32 $0xFFFFF830  }
0xa7: {  	_ =	swait.ge [sflag:s20], $0x7D0  }
0xa8: {  	[sflag:s20] =	ssyncset.done $0x0  }
0xa9: {  	s25 =	simm.s32 $0x0;
	[sflag:s20] =	ssyncadd.s32 $0xFFFFF830  }
.LBB2_12:
0xaa: {  	s26 =	sshra.s32 s25, $0x2  }
0xab: {  	v2 =	vld [tilespmem:s26+$0x4E20]  }
0xac: {  	v3 =	vld [tilespmem:s26+$0x5DC0];
	_ =	sdelay $0x6  }
0xad: {  	[tilespmem:v2+s2+$0x0] =	vst.idx.add.f32.msk $0xffff, v1  }
0xae: {  	[tilespmem:v3+s21+$0x0] =	vst.idx.add.f32.msk $0xffff, v1  }
0xaf: {  	v2 =	vld [tilespmem:s26+$0x4E30]  }
0xb0: {  	v3 =	vld [tilespmem:s26+$0x5DD0];
	_ =	sdelay $0x6  }
0xb1: {  	[tilespmem:v2+s2+$0x0] =	vst.idx.add.f32.msk $0xffff, v1  }
0xb2: {  	[tilespmem:v3+s21+$0x0] =	vst.idx.add.f32.msk $0xffff, v1  }
0xb3: {  	v2 =	vld [tilespmem:s26+$0x4E40]  }
0xb4: {  	v3 =	vld [tilespmem:s26+$0x5DE0];
	_ =	sdelay $0x6  }
0xb5: {  	[tilespmem:v2+s2+$0x0] =	vst.idx.add.f32.msk $0xffff, v1  }
0xb6: {  	[tilespmem:v3+s21+$0x0] =	vst.idx.add.f32.msk $0xffff, v1  }
0xb7: {  	v2 =	vld [tilespmem:s26+$0x4E50]  }
0xb8: {  	v3 =	vld [tilespmem:s26+$0x5DF0];
	_ =	sdelay $0x6  }
0xb9: {  	[tilespmem:v2+s2+$0x0] =	vst.idx.add.f32.msk $0xffff, v1  }
0xba: {  	[tilespmem:v3+s21+$0x0] =	vst.idx.add.f32.msk $0xffff, v1  }
0xbb: {  	v2 =	vld [tilespmem:s26+$0x4E60]  }
0xbc: {  	v3 =	vld [tilespmem:s26+$0x5E00];
	_ =	sdelay $0x2  }
0xbd: {  	p0 =	sne.s32 s25, $0x1E00  }
.Ltmp5:
0xbe: {  	_ = 	snop;
	(pc) =	sbr.rel @p0 .LBB2_12-.Ltmp5, $3  }
0xbf: {  	_ =	sdelay $0x1  }
0xc0: {  	[tilespmem:v2+s2+$0x0] =	vst.idx.add.f32.msk $0xffff, v1  }
0xc1: {  	s25 =	sadd.s32 $0x140, s25;
	[tilespmem:v3+s21+$0x0] =	vst.idx.add.f32.msk $0xffff, v1  }
0xc2: {  	[hbm4b:s13+s2] =	stream.linear.scatter [tilespmem:s2], [sflag:$0x3], $0x2710, $0x38;
	[tilespmem:$0x6D60] =	vst v63  }
0xc3: {  	s24 =	sadd.s32 $0x1, s24;
	_ =	swait.ge [sflag:s23], $0x2710  }
0xc4: {  	p0 =	sne.s32 s24, s15;
	[sflag:s23] =	ssyncset.done $0x0  }
.Ltmp6:
0xc5: {  	[sflag:s23] =	ssyncadd.s32 $0xFFFFD8F0;
	(pc) =	sbr.rel @p0 .LBB2_1-.Ltmp6, $4  }
0xc6: {  	[hbm4b:s14+s2] =	stream.linear.scatter [tilespmem:s21], [sflag:$0x3], $0x2710, $0x38;
	[tilespmem:$0x6D60] =	vst v63  }
0xc7: {  	_ =	swait.ge [sflag:s23], $0x2710  }
0xc8: {  	[sflag:s23] =	ssyncset.done $0x0  }
0xc9: {  	[sflag:s23] =	ssyncadd.s32 $0xFFFFD8F0  }
0xca: {  	_ =	sfence.sel $0x180000  }
0xcb: {  	[bflag:$0x0] =	sbarrier.arrive $0xFFFF  }
0xcc: {  	p0 =	sne.s32 s0, $0x0;
	_ =	strace $0x90000047  }
0xcd: {  	s0 =	sadd.s32 @!p0 $0x100000, s1;
	[bflag:$0x2] =	sbarrier.arrive $0xFFFF  }
0xce: {  	[sflag:s0] =	ssyncadd.tile.s32 @!p0 $0x1;
	_ =	shalt  }
.Lfunc_end2:
_tile_overlayer_lowered:
.L_overlay_start_2:
0xcf: {  	(tag) =	ssettag $0x2  }
0xd0: {  	s0 =	rddreg [dreg:$0x0];
	s2 =	stileid.u32  }
0xd1: {  	s1 =	rddreg [dreg:$0x1];
	p0 =	sne.s32 s2, $0x0  }
0xd2: {  	s3 =	rddreg [dreg:$0x2];
	[bflag:$0x3] =	sbarrier.arrive $0xFFFF;
	s2 =	simm.s32 @!p0 $0x1C03  }
0xd3: {  	[timem:s3], [sflag:s2] =	dma.local @!p0 [hbm:s0], s1  }
0xd4: {  	s0 =	simm.s32 @!p0 $0x3  }
0xd5: {  	_ =	swait.ge @!p0 [sflag:s0], s1  }
0xd6: {  	s1 =	ssub.s32 @!p0 $0x0, s1;
	[sflag:s0] =	ssyncset.done @!p0 $0x0  }
0xd7: {  	[sflag:s0] =	ssyncadd.s32 @!p0 s1  }
0xd8: {  	[bflag:$0x3] =	sbarrier.arrive $0xFFFF  }
0xd9: {  	_ =	shalt  }

// kernel: kernel.9.cloned.1.call-start
scs
__scs_entry_jumppad:
0x0: {  	(pc) =	sbr.rel $0x88, $3  }
0x1: {  	(tag) =	ssettag $0x0;
	lr =	simm.s32 $0x1  }
0x2: {  	[smem:$0x3F9C] =	sst lr;
	_ =	strace $0xD0000000  }
0x3: {  	_ = 	snop  }
0x4: {  	_ = 	snop  }
0x5: {  	_ = 	snop  }
0x6: {  	_ = 	snop  }
0x7: {  	_ = 	snop  }
__scs_overlays_trampoline_lowered:
0x8: {  	[smem:$0x3FAB] =	sst s0  }
0x9: {  	[smem:$0x3FAC] =	sst s1  }
0xa: {  	[smem:$0x3FAD] =	sst s2  }
0xb: {  	[smem:$0x3FAE] =	sst s3  }
0xc: {  	[smem:$0x3FAF] =	sst s4  }
0xd: {  	[smem:$0x3FB0] =	sst s5  }
0xe: {  	[smem:$0x3FB1] =	sst s6  }
0xf: {  	[smem:$0x3FB2] =	sst s7  }
0x10: {  	[smem:$0x3FB3] =	sst s8  }
0x11: {  	[smem:$0x3FB4] =	sst s9;
	s0 =	simm.s32 @!p0 $0x0  }
0x12: {  	s1 =	sld [smem:$0x3F9A];
	s0 =	simm.s32 @p0 $0x1  }
0x13: {  	[smem:$0x3FB5] =	sst s0;
	s0 =	simm.s32 @!p1 $0x0  }
0x14: {  	s2 =	sld [smem:$0x3F99];
	s0 =	simm.s32 @p1 $0x1  }
0x15: {  	[smem:$0x3FB6] =	sst s0;
	s0 =	simm.s32 @!p2 $0x0  }
0x16: {  	s3 =	sld [smem:$0x3FDB];
	s0 =	simm.s32 @p2 $0x1  }
0x17: {  	s4 =	simm.s32 $0x1BF5;
	[smem:$0x3FB8] =	sst s0  }
0x18: {  	s0 =	sld [smem:$0x3F9B];
	_ =	swait.ge [sflag:s4], $0x0  }
0x19: {  	s7 =	sld [smem:$0x3F9C]  }
0x1a: {  	s8 =	sadd.s32 $0xFFFFE003, lr  }
0x1b: {  	s9 =	sadd.s32 $0xFFFFFEF7, lr;
	s5 =	simm.s32 $0xFFFFFFFF;
	p2 =	slt.u32 s8, $0xFFFFF086  }
0x1c: {  	p1 =	slt.u32 s9, $0xF7A;
	s5 =	simm.s32 @!p2 $0x0  }
0x1d: {  	s5 =	simm.s32 @p1 $0x1;
	p0 =	seq.s32 s7, s2  }
0x1e: {  	s7 =	smul.u32 @!p0 $0xF7A, s2;
	p2 =	seq.s32 @!p0 s5, $0x0  }
0x1f: {  	s9 =	smul.u32 $0xF7A, s1;
	s8 =	simm.s32 @!p0 $0x1BF5;
	p2 =	por !p2, p0  }
0x20: {  	[sflag:s8] =	ssyncset.s32 @!p0 $0xFFFFF086;
	s6 =	sadd.s32 @!p0 s3, s7;
	s7 =	simm.s32 @!p0 $0x108  }
0x21: {  	s3 =	sadd.s32 s3, s9;
	s6 =	sadd.s32 @!p0 $0x88, s6;
	s7 =	simm.s32 @p2 $0x1082  }
0x22: {  	[simem:s7], [sflag:s8] =	dma.local @!p0 [hbm:s6], $0xF7A  }
0x23: {  	s9 =	sor.u32 $0xD0000000, s2;
	s6 =	simm.s32 $0x108;
	_ =	swait.ge @!p0 [sflag:s8], $0x0  }
0x24: {  	s3 =	sadd.s32 $0x88, s3;
	s6 =	simm.s32 @!p1 $0x1082;
	[sflag:s4] =	ssyncset.s32 $0xFFFFF086  }
0x25: {  	[simem:s6], [sflag:s4] =	dma.local [hbm:s3], $0xF7A  }
0x26: {  	[smem:$0x3F9C] =	sst s1;
	(tag) =	ssettag s2;
	_ =	strace s9  }
0x27: {  	s1 =	sld [smem:$0x3FAC]  }
0x28: {  	s2 =	sld [smem:$0x3FAD]  }
0x29: {  	s4 =	sld [smem:$0x3FAF]  }
0x2a: {  	p0 =	seq.s32 s5, $0x0;
	s5 =	sld [smem:$0x3FB0]  }
0x2b: {  	s6 =	sld [smem:$0x3FB1]  }
0x2c: {  	s7 =	sld [smem:$0x3FB2]  }
0x2d: {  	s3 =	simm.s32 $0x108;
	s8 =	sld [smem:$0x3FB3]  }
0x2e: {  	s3 =	simm.s32 @!p0 $0x1082;
	s9 =	sld [smem:$0x3FB4]  }
0x2f: {  	lr =	sadd.s32 s0, s3;
	s0 =	sld [smem:$0x3FAB]  }
0x30: {  	s3 =	sld [smem:$0x3FAE]  }
0x31: {  	[smem:$0x3FB7] =	sst s10  }
0x32: {  	s10 =	sld [smem:$0x3FB5];
	_ =	sdelay $0x3  }
0x33: {  	p0 =	seq.s32 s10, $0x1;
	s10 =	sld [smem:$0x3FB7];
	_ =	sdelay $0x3  }
0x34: {  	[smem:$0x3FB7] =	sst s10  }
0x35: {  	s10 =	sld [smem:$0x3FB6];
	_ =	sdelay $0x3  }
0x36: {  	p1 =	seq.s32 s10, $0x1;
	s10 =	sld [smem:$0x3FB7];
	_ =	sdelay $0x3  }
0x37: {  	[smem:$0x3FB7] =	sst s10  }
0x38: {  	s10 =	sld [smem:$0x3FB8]  }
0x39: {  	_ = 	snop;
	(pc) =	sbr.ind lr, $3  }
0x3a: {  	_ = 	snop  }
0x3b: {  	_ = 	snop  }
0x3c: {  	p2 =	seq.s32 s10, $0x1;
	s10 =	sld [smem:$0x3FB7]  }
0x3d: {  	_ =	shalt  }
0x3e: {  	_ =	shalt  }
0x3f: {  	_ =	shalt  }
0x40: {  	_ =	shalt  }
0x41: {  	_ =	shalt  }
0x42: {  	_ =	shalt  }
0x43: {  	_ =	shalt  }
0x44: {  	_ =	shalt  }
0x45: {  	_ =	shalt  }
0x46: {  	_ =	shalt  }
0x47: {  	_ =	shalt  }
0x48: {  	_ =	shalt  }
0x49: {  	_ =	shalt  }
0x4a: {  	_ =	shalt  }
0x4b: {  	_ =	shalt  }
0x4c: {  	_ =	shalt  }
0x4d: {  	_ =	shalt  }
0x4e: {  	_ =	shalt  }
0x4f: {  	_ =	shalt  }
0x50: {  	_ =	shalt  }
0x51: {  	_ =	shalt  }
0x52: {  	_ =	shalt  }
0x53: {  	_ =	shalt  }
0x54: {  	_ =	shalt  }
0x55: {  	_ =	shalt  }
0x56: {  	_ =	shalt  }
0x57: {  	_ =	shalt  }
0x58: {  	_ =	shalt  }
0x59: {  	_ =	shalt  }
0x5a: {  	_ =	shalt  }
0x5b: {  	_ =	shalt  }
0x5c: {  	_ =	shalt  }
0x5d: {  	_ =	shalt  }
0x5e: {  	_ =	shalt  }
0x5f: {  	_ =	shalt  }
0x60: {  	_ =	shalt  }
0x61: {  	_ =	shalt  }
0x62: {  	_ =	shalt  }
0x63: {  	_ =	shalt  }
0x64: {  	_ =	shalt  }
0x65: {  	_ =	shalt  }
0x66: {  	_ =	shalt  }
0x67: {  	_ =	shalt  }
0x68: {  	_ =	shalt  }
0x69: {  	_ =	shalt  }
0x6a: {  	_ =	shalt  }
0x6b: {  	_ =	shalt  }
0x6c: {  	_ =	shalt  }
0x6d: {  	_ =	shalt  }
0x6e: {  	_ =	shalt  }
0x6f: {  	_ =	shalt  }
0x70: {  	_ =	shalt  }
0x71: {  	_ =	shalt  }
0x72: {  	_ =	shalt  }
0x73: {  	_ =	shalt  }
0x74: {  	_ =	shalt  }
0x75: {  	_ =	shalt  }
0x76: {  	_ =	shalt  }
0x77: {  	_ =	shalt  }
0x78: {  	_ =	shalt  }
0x79: {  	_ =	shalt  }
0x7a: {  	_ =	shalt  }
0x7b: {  	_ =	shalt  }
0x7c: {  	_ =	shalt  }
0x7d: {  	_ =	shalt  }
0x7e: {  	_ =	shalt  }
0x7f: {  	_ =	shalt  }
0x80: {  	_ =	shalt  }
0x81: {  	_ =	shalt  }
0x82: {  	_ =	shalt  }
0x83: {  	_ =	shalt  }
0x84: {  	_ =	shalt  }
0x85: {  	_ =	shalt  }
0x86: {  	_ =	shalt  }
0x87: {  	_ =	shalt  }
.Lfunc_end0:
.L_simem_size_0:
called_computation.1_lowered:
.L_overlay_start_0:
0x88: {  	s2 =	sld [smem:$0x3FD9]  }
0x89: {  	s3 =	sld [smem:$0x3FFE];
	_ =	sdelay $0x1  }
0x8a: {  	s1 =	srdreg.scid  }
0x8b: {  	s0 =	sand.u32 $0x1, s1  }
0x8c: {  	s17 =	sshll.u32 s0, $0xA;
	s2 =	sadd.s32 s3, s2  }
0x8d: {  	s2 =	sadd.s32 s2, s17  }
0x8e: {  	[smem:$0x3FC3] =	sst s2  }
0x8f: {  	_ = 	snop  }
0x90: {  	s2 =	sld [smem:$0x3FC8]  }
0x91: {  	s18 =	sld [smem:$0x3FC7]  }
0x92: {  	s4 =	sld [smem:$0x3FD0];
	(tm) =	ssettm $0x1  }
0x93: {  	s5 =	sld [smem:$0x3FFB];
	_ =	sdelay $0x3  }
0x94: {  	_ =	strace s5  }
0x95: {  	s5 =	sld [smem:$0x3FFC];
	_ =	sdelay $0x3  }
0x96: {  	_ =	strace s5  }
0x97: {  	s5 =	sld [smem:$0x3FFD];
	_ =	sdelay $0x3  }
0x98: {  	_ =	strace s5  }
0x99: {  	_ =	strace $0x8FFFFFFF  }
0x9a: {  	s19 =	sld [smem:$0x3FDB];
	_ =	sdelay $0x1  }
0x9b: {  	s6 =	simm.s32 $_scs_section_size  }
0x9c: {  	s7 =	simm.s32 $_size__tile_overlayer_lowered;
	s8 =	simm.s32 $_tile_overlayer_lowered  }
0x9d: {  	s22 =	simm.s32 $0x1BFF;
	s21 =	sshll.u32 s8, $0x1;
	s5 =	sadd.s32 s6, s19  }
0x9e: {  	s9 =	simm.s32 $0x0;
	s20 =	sshll.u32 s7, $0x1;
	s7 =	sadd.s32 s21, s5  }
0x9f: {  	[timem:s9], [sflag:s22] =	dma.local [hbm:s7], s20  }
0xa0: {  	_ =	swait.ge [sflag:s22], s20  }
0xa1: {  	s6 =	ssub.s32 $0x0, s20;
	[sflag:s22] =	ssyncset.done $0x0  }
0xa2: {  	[sflag:s22] =	ssyncadd.s32 s6;
	_ =	sdelay $0x1  }
0xa3: {  	s23 =	simm.s32 $0x1B8B  }
0xa4: {  	_ =	swait.ge [sflag:s23], $0x1  }
0xa5: {  	[sflag:s23] =	ssyncset.done $0x0  }
0xa6: {  	s25 =	simm.s32 $0x1B8E;
	s24 =	sld [smem:$0x3FFE];
	[sflag:s23] =	ssyncadd.s32 $0xFFFFFFFF  }
0xa7: {  	s26 =	simm.s32 $execute0_lowered;
	[smem:$0x3FD2] =	sst s25  }
0xa8: {  	s7 =	sshll.u32 s26, $0x1;
	_ =	strace $0x80000049;
	[dreg:$0x1] =	wrdreg $0xFFFFFFFF  }
0xa9: {  	s28 =	simm.s32 $_size_execute0_lowered;
	s5 =	sadd.s32 s5, s7;
	[dreg:$0x0] =	wrdreg $0x0  }
0xaa: {  	s7 =	sshll.u32 s28, $0x1;
	[dreg:$0x2] =	wrdreg s5  }
0xab: {  	[dreg:$0x3] =	wrdreg s7  }
0xac: {  	[dreg:$0x4] =	wrdreg $0xC0  }
0xad: {  	_ =	task [dreg:s9], $0x5FFFF  }
0xae: {  	[dreg:$0x1] =	wrdreg $0xFFFFFFFF  }
0xaf: {  	[dreg:$0x0] =	wrdreg $0x60  }
0xb0: {  	[dreg:$0x2] =	wrdreg s4  }
0xb1: {  	[dreg:$0x3] =	wrdreg s2  }
0xb2: {  	[dreg:$0x4] =	wrdreg s18  }
0xb3: {  	[dreg:$0x5] =	wrdreg s24  }
0xb4: {  	[dreg:$0x6] =	wrdreg $0xA8200  }
0xb5: {  	[dreg:$0x7] =	wrdreg $0x9  }
0xb6: {  	_ =	task.clear_ibuf [dreg:s9], $0x8FFFF;
	_ =	strace $0x90000049  }
0xb7: {  	s29 =	simm.s32 $0x9;
	_ =	strace $0x8000004B  }
0xb8: {  	_ =	swait.ge [sflag:s29], $0x1  }
0xb9: {  	[sflag:s29] =	ssyncadd.s32 $0xFFFFFFFF  }
0xba: {  	_ =	strace $0x9000004B  }
0xbb: {  	_ =	sfence  }
0xbc: {  	s30 =	sld [smem:$0x0];
	_ =	sdelay $0x2  }
0xbd: {  	s31 =	sshll.u32 s1, $0xD;
	s1 =	sshrl.u32 s1, $0x2  }
0xbe: {  	s3 =	sand.u32 $0x4000, s31;
	s1 =	sadd.s32 s1, s30  }
0xbf: {  	s0 =	sor.u32 s3, s0;
	s1 =	sshll.u32 s1, $0x11  }
0xc0: {  	s0 =	sor.u32 s1, s0  }
0xc1: {  	s0 =	sadd.s32 $0x8F2B, s0  }
0xc2: {  	[sflag:s0] =	ssyncadd.remote.s32 $0x1  }
0xc3: {  	_ =	sfence.sel $0xFFFF  }
0xc4: {  	[dreg:$0x0] =	wrdreg $0xFFFFFFFF;
	(pc) =	sbr.abs _section_cstart, $3  }
0xc5: {  	[dreg:$0x1] =	wrdreg $0xFFFFFFFF  }
0xc6: {  	_ =	task.clear_ibuf [dreg:s9], $0x2FFFF;
	_ =	strace $0x9FFFFFFF  }
0xc7: {  	(tm) =	ssettm $0x7FFFFFFF  }
tec
execute0_lowered:
.L_overlay_start_1:
0x0: {  	(tag) =	ssettag $0x1  }
0x1: {  	s0 =	rddreg [dreg:$0x0]  }
0x2: {  	s1 =	rddreg [dreg:$0x1]  }
0x3: {  	s2 =	rddreg [dreg:$0x2]  }
0x4: {  	s3 =	rddreg [dreg:$0x3];
	s5 =	srdreg.scid  }
0x5: {  	s11 =	stileid.u32;
	s4 =	rddreg [dreg:$0x4];
	s28 =	simm.s32 $0x6820  }
0x6: {  	s29 =	simm.s32 $0x1;
	s30 =	simm.s32 $0x3;
	s7 =	smul.u32 $0x2710, s11  }
0x7: {  	s6 =	sand.u32 $0x1, s5;
	s5 =	simm.s32 $0x0;
	s10 =	smul.u32 $0x4E200, s11  }
0x8: {  	s31 =	simm.s32 $0x7;
	s8 =	smul.u32 $0x27100, s6;
	[smem:$0x7FF] =	sst s5  }
0x9: {  	s9 =	sshll.u32 s6, $0x4;
	s15 =	ssub.s32 $0x2, s6;
	s16 =	sshrl.u32 s10, $0x2  }
0xa: {  	_ =	strace $0x8000004A;
	s14 =	sor.u32 s11, s9;
	s6 =	sadd.s32 s16, s4  }
0xb: {  	s17 =	sshrl.u32 s15, $0x1;
	s7 =	sadd.s32 s7, s8;
	s18 =	sadd.s32 $0x4000, s6  }
0xc: {  	s8 =	smul.u32 $0x2710, s14;
	s19 =	sadd.s32 $0x8000, s6;
	[dreg:$0x6] =	wrdreg s18  }
0xd: {  	s9 =	ssub.s32 s15, s17;
	s20 =	sadd.s32 $0xC000, s6;
	[dreg:$0x7] =	wrdreg s19  }
0xe: {  	s3 =	sadd.s32 s7, s3;
	s21 =	sadd.s32 $0x10000, s6;
	[dreg:$0x8] =	wrdreg s20  }
0xf: {  	s25 =	sadd.s32 $0x180, s7;
	s8 =	sshrl.u32 s8, $0x3;
	[dreg:$0x9] =	wrdreg s21  }
0x10: {  	s17 =	sadd.s32 $0xBC00, s3;
	s18 =	smax.u32 s9, $0x1;
	s20 =	sadd.s32 $0x100, s7  }
0x11: {  	s21 =	simm.s32 $0x2820;
	s10 =	sadd.s32 s2, s8;
	s1 =	sadd.s32 s1, s8  }
0x12: {  	s3 =	simm.s32 $0x2;
	[dreg:$0xa] =	wrdreg s1;
	s22 =	sadd.s32 $0x10, s10  }
0x13: {  	s7 =	simm.s32 $0x2810;
	s23 =	sadd.s32 $0x4C0, s10;
	[dreg:$0xb] =	wrdreg s22  }
0x14: {  	s9 =	simm.s32 $0x0;
	s24 =	sadd.s32 $0x4D0, s10;
	[dreg:$0xc] =	wrdreg s23  }
0x15: {  	s8 =	simm.s32 $0x10;
	s26 =	sadd.s32 $0x4E0, s10;
	[dreg:$0xd] =	wrdreg s24  }
0x16: {  	s1 =	sshrl.u32 s25, $0x3;
	s25 =	simm.s32 $0x6;
	[dreg:$0xe] =	wrdreg s26  }
0x17: {  	s19 =	sadd.s32 s1, s2;
	s22 =	simm.s32 $0x2710;
	s23 =	simm.s32 $0x2790  }
0x18: {  	v0 =	vimm.f32 $0.0e+00;
	s24 =	simm.s32 $0x5;
	s26 =	simm.s32 $0x80;
	s1 =	simm.s32 $0x4  }
.LBB2_1:
0x19: {  	s11 =	simm.s32 $0x0;
	s12 =	simm.s32 $0x200  }
.LBB2_2:
0x1a: {  	p0 =	sne.s32 s12, $0xFE00;
	[tilespmem:s11+$0x2890] =	vst v0  }
0x1b: {  	[tilespmem:s11+$0x2820] =	vst v0  }
0x1c: {  	[tilespmem:s11+$0x2830] =	vst v0  }
.Ltmp0:
0x1d: {  	[tilespmem:s11+$0x2840] =	vst v0;
	(pc) =	sbr.rel @p0 .LBB2_2-.Ltmp0, $4  }
0x1e: {  	[tilespmem:s11+$0x2850] =	vst v0  }
0x1f: {  	[tilespmem:s11+$0x2860] =	vst v0  }
0x20: {  	[tilespmem:s11+$0x2870] =	vst v0  }
0x21: {  	[tilespmem:s11+$0x2880] =	vst v0;
	s11 =	sshra.s32 s12, $0x2;
	s12 =	sadd.s32 $0x200, s12  }
0x22: {  	[tilespmem:s11+$0x2890] =	vst v0  }
0x23: {  	[tilespmem:s11+$0x2820] =	vst v0  }
0x24: {  	[tilespmem:s11+$0x2830] =	vst v0  }
0x25: {  	[tilespmem:s11+$0x2840] =	vst v0  }
0x26: {  	[tilespmem:s11+$0x2850] =	vst v0  }
0x27: {  	[tilespmem:s11+$0x2860] =	vst v0  }
0x28: {  	[tilespmem:s11+$0x2870] =	vst v0  }
0x29: {  	[tilespmem:s11+$0x2880] =	vst v0  }
0x2a: {  	[spmem:s6] =	stream.linear.scatter [tilespmem:s21], [sflag:$0x5], $0x4000, $0x38;
	[tilespmem:$0x1E0A0] =	vst v63  }
0x2b: {  	s12 =	rddreg [dreg:$0x6]  }
0x2c: {  	[spmem:s12] =	stream.linear.scatter [tilespmem:s21], [sflag:$0x5], $0x4000, $0x38;
	[tilespmem:$0x1E0A0] =	vst v63  }
0x2d: {  	s13 =	rddreg [dreg:$0x7]  }
0x2e: {  	[spmem:s13] =	stream.linear.scatter [tilespmem:s21], [sflag:$0x5], $0x4000, $0x38;
	[tilespmem:$0x1E0A0] =	vst v63  }
0x2f: {  	s14 =	rddreg [dreg:$0x8]  }
0x30: {  	[spmem:s14] =	stream.linear.scatter [tilespmem:s21], [sflag:$0x5], $0x4000, $0x38;
	[tilespmem:$0x1E0A0] =	vst v63  }
0x31: {  	s15 =	rddreg [dreg:$0x9]  }
0x32: {  	[spmem:s15] =	stream.linear.scatter [tilespmem:s21], [sflag:$0x5], $0x3880, $0x38;
	[tilespmem:$0x1E0A0] =	vst v63  }
0x33: {  	s16 =	simm.s32 $0x0;
	s12 =	rddreg [dreg:$0xa]  }
0x34: {  	[tilespmem:s16], [sflag:$0x6] =	stream.linear.gather [hbm4b:s12+s16], $0x2710, $0x38;
	[tilespmem:$0x1E0A0] =	vst v63  }
0x35: {  	_ = 	snop  }
0x36: {  	[tilespmem:s22], [sflag:$0x3] =	stream.linear.gather [hbm4b:s10+s16], $0x80, $0x38;
	[tilespmem:$0x1E0A0] =	vst v63  }
0x37: {  	s13 =	rddreg [dreg:$0xb]  }
0x38: {  	[tilespmem:s23], [sflag:$0x4] =	stream.linear.gather [hbm4b:s13+s16], $0x80, $0x38;
	[tilespmem:$0x1E0A0] =	vst v63  }
0x39: {  	_ =	swait.ge [sflag:s24], $0x4000  }
0x3a: {  	[sflag:s24] =	ssyncset.done $0x0  }
0x3b: {  	[sflag:s24] =	ssyncadd.s32 $0xFFFFC000  }
0x3c: {  	_ =	swait.ge [sflag:s24], $0x4000  }
0x3d: {  	[sflag:s24] =	ssyncset.done $0x0  }
0x3e: {  	[sflag:s24] =	ssyncadd.s32 $0xFFFFC000  }
0x3f: {  	_ =	swait.ge [sflag:s24], $0x4000  }
0x40: {  	[sflag:s24] =	ssyncset.done $0x0  }
0x41: {  	[sflag:s24] =	ssyncadd.s32 $0xFFFFC000  }
0x42: {  	_ =	swait.ge [sflag:s24], $0x4000  }
0x43: {  	[sflag:s24] =	ssyncset.done $0x0  }
0x44: {  	[sflag:s24] =	ssyncadd.s32 $0xFFFFC000  }
0x45: {  	_ =	swait.ge [sflag:s24], $0x3880  }
0x46: {  	[sflag:s24] =	ssyncset.done $0x0  }
0x47: {  	[sflag:s24] =	ssyncadd.s32 $0xFFFFC780  }
0x48: {  	[bflag:$0x0] =	sbarrier.arrive $0xFFFF  }
0x49: {  	_ =	swait.ge [sflag:s25], $0x2710  }
0x4a: {  	[sflag:s25] =	ssyncset.done $0x0  }
0x4b: {  	[sflag:s25] =	ssyncadd.s32 $0xFFFFD8F0  }
0x4c: {  	[tilespmem:s21], [sflag:$0x1] =	stream.indirect.gather [hbm4b:s0+s26], $0x80, s16, s26, $0xb8;
	[tilespmem:$0x1E0A0] =	vst v63  }
0x4d: {  	_ = 	snop  }
0x4e: {  	[tilespmem:s28], [sflag:$0x2] =	stream.indirect.gather [hbm4b:s0+s26], $0x80, s26, s26, $0xb8;
	[tilespmem:$0x1E0A0] =	vst v63  }
0x4f: {  	_ =	swait.ge [sflag:s29], $0x4000  }
0x50: {  	[sflag:s29] =	ssyncset.done $0x0  }
0x51: {  	[sflag:s29] =	ssyncadd.s32 $0xFFFFC000  }
0x52: {  	_ =	swait.ge [sflag:s30], $0x80  }
0x53: {  	[sflag:s30] =	ssyncset.done $0x0  }
0x54: {  	[sflag:s30] =	ssyncadd.s32 $0xFFFFFF80  }
0x55: {  	[spmem:s4] =	stream.indirect.scatter.add.f32 [tilespmem:s21], [sflag:$0x7], $0x80, s22, s26, $0xb8;
	[tilespmem:$0x1E0A0] =	vst v63  }
0x56: {  	_ =	swait.ge [sflag:s31], $0x4000  }
0x57: {  	s14 =	sshrl.u32 s20, $0x3;
	[sflag:s31] =	ssyncset.done $0x0  }
0x58: {  	s11 =	sadd.s32 s2, s14;
	[sflag:s31] =	ssyncadd.s32 $0xFFFFC000  }
0x59: {  	[tilespmem:s22], [sflag:$0x3] =	stream.linear.gather [hbm4b:s11+s5], $0x80, $0x38;
	[tilespmem:$0x1E0A0] =	vst v63  }
0x5a: {  	s15 =	simm.s32 $0x100  }
0x5b: {  	[tilespmem:s21], [sflag:$0x1] =	stream.indirect.gather [hbm4b:s0+s26], $0x80, s15, s26, $0xb8;
	[tilespmem:$0x1E0A0] =	vst v63  }
0x5c: {  	_ =	swait.ge [sflag:s3], $0x4000  }
0x5d: {  	[sflag:s3] =	ssyncset.done $0x0  }
0x5e: {  	[sflag:s3] =	ssyncadd.s32 $0xFFFFC000  }
0x5f: {  	_ =	swait.ge [sflag:s1], $0x80  }
0x60: {  	[sflag:s1] =	ssyncset.done $0x0  }
0x61: {  	[sflag:s1] =	ssyncadd.s32 $0xFFFFFF80  }
0x62: {  	[spmem:s4] =	stream.indirect.scatter.add.f32 [tilespmem:s28], [sflag:$0x7], $0x80, s23, s26, $0xb8;
	[tilespmem:$0x1E0A0] =	vst v63  }
0x63: {  	s14 =	sadd.s32 $0x100, s20;
	_ =	swait.ge [sflag:s31], $0x4000  }
0x64: {  	s12 =	simm.s32 $0x20;
	s13 =	simm.s32 $0x280;
	[sflag:s31] =	ssyncset.done $0x0  }
0x65: {  	s16 =	sadd.s32 $0x0, s19;
	s11 =	simm.s32 $0x180;
	[sflag:s31] =	ssyncadd.s32 $0xFFFFC000  }
0x66: {  	[tilespmem:s23], [sflag:$0x4] =	stream.linear.gather [hbm4b:s16+s5], $0x80, $0x38;
	[tilespmem:$0x1E0A0] =	vst v63  }
.LBB2_4:
0x67: {  	[tilespmem:s28], [sflag:$0x2] =	stream.indirect.gather [hbm4b:s0+s26], $0x80, s11, s26, $0xb8;
	[tilespmem:$0x1E0A0] =	vst v63  }
0x68: {  	s15 =	smov.u32 s12;
	s11 =	smov.u32 s13  }
0x69: {  	p0 =	sne.s32 s12, $0x480;
	s12 =	sadd.s32 $0x20, s12;
	_ =	swait.ge [sflag:s29], $0x4000  }
0x6a: {  	[sflag:s29] =	ssyncset.done $0x0  }
0x6b: {  	[sflag:s29] =	ssyncadd.s32 $0xFFFFC000  }
0x6c: {  	_ =	swait.ge [sflag:s30], $0x80  }
0x6d: {  	[sflag:s30] =	ssyncset.done $0x0  }
0x6e: {  	[sflag:s30] =	ssyncadd.s32 $0xFFFFFF80  }
0x6f: {  	[spmem:s4] =	stream.indirect.scatter.add.f32 [tilespmem:s21], [sflag:$0x7], $0x80, s22, s26, $0xb8;
	[tilespmem:$0x1E0A0] =	vst v63  }
0x70: {  	_ =	swait.ge [sflag:s31], $0x4000  }
0x71: {  	s16 =	sshrl.u32 s14, $0x3;
	[sflag:s31] =	ssyncset.done $0x0  }
0x72: {  	s16 =	sadd.s32 s2, s16;
	[sflag:s31] =	ssyncadd.s32 $0xFFFFC000  }
0x73: {  	[tilespmem:s22], [sflag:$0x3] =	stream.linear.gather [hbm4b:s16+s5], $0x80, $0x38;
	[tilespmem:$0x1E0A0] =	vst v63  }
0x74: {  	s16 =	sadd.s32 $0xFFFFFF80, s13  }
0x75: {  	[tilespmem:s21], [sflag:$0x1] =	stream.indirect.gather [hbm4b:s0+s26], $0x80, s16, s26, $0xb8;
	[tilespmem:$0x1E0A0] =	vst v63  }
0x76: {  	_ =	swait.ge [sflag:s3], $0x4000  }
0x77: {  	[sflag:s3] =	ssyncset.done $0x0  }
0x78: {  	[sflag:s3] =	ssyncadd.s32 $0xFFFFC000  }
0x79: {  	_ =	swait.ge [sflag:s1], $0x80  }
0x7a: {  	[sflag:s1] =	ssyncset.done $0x0  }
0x7b: {  	[sflag:s1] =	ssyncadd.s32 $0xFFFFFF80  }
0x7c: {  	[spmem:s4] =	stream.indirect.scatter.add.f32 [tilespmem:s28], [sflag:$0x7], $0x80, s23, s26, $0xb8;
	[tilespmem:$0x1E0A0] =	vst v63  }
.Ltmp1:
0x7d: {  	_ =	swait.ge [sflag:s31], $0x4000;
	(pc) =	sbr.rel @p0 .LBB2_4-.Ltmp1, $4  }
0x7e: {  	[sflag:s31] =	ssyncset.done $0x0  }
0x7f: {  	s15 =	sadd.s32 s15, s19;
	[sflag:s31] =	ssyncadd.s32 $0xFFFFC000  }
0x80: {  	[tilespmem:s23], [sflag:$0x4] =	stream.linear.gather [hbm4b:s15+s5], $0x80, $0x38;
	[tilespmem:$0x1E0A0] =	vst v63  }
0x81: {  	s14 =	sadd.s32 $0x100, s14;
	s13 =	sadd.s32 $0x100, s13  }
0x82: {  	[tilespmem:s28], [sflag:$0x2] =	stream.indirect.gather [hbm4b:s0+s26], $0x80, s11, s26, $0xb8;
	[tilespmem:$0x1E0A0] =	vst v63  }
0x83: {  	_ =	swait.ge [sflag:s29], $0x4000  }
0x84: {  	[sflag:s29] =	ssyncset.done $0x0  }
0x85: {  	[sflag:s29] =	ssyncadd.s32 $0xFFFFC000  }
0x86: {  	_ =	swait.ge [sflag:s30], $0x80  }
0x87: {  	[sflag:s30] =	ssyncset.done $0x0  }
0x88: {  	[sflag:s30] =	ssyncadd.s32 $0xFFFFFF80  }
0x89: {  	[spmem:s4] =	stream.indirect.scatter.add.f32 [tilespmem:s21], [sflag:$0x7], $0x80, s22, s26, $0xb8;
	[tilespmem:$0x1E0A0] =	vst v63  }
0x8a: {  	_ =	swait.ge [sflag:s31], $0x4000  }
0x8b: {  	[sflag:s31] =	ssyncset.done $0x0  }
0x8c: {  	s15 =	rddreg [dreg:$0xc];
	[sflag:s31] =	ssyncadd.s32 $0xFFFFC000  }
0x8d: {  	[tilespmem:s22], [sflag:$0x3] =	stream.linear.gather [hbm4b:s15+s5], $0x80, $0x38;
	[tilespmem:$0x1E0A0] =	vst v63  }
0x8e: {  	s16 =	simm.s32 $0x2600  }
0x8f: {  	[tilespmem:s21], [sflag:$0x1] =	stream.indirect.gather [hbm4b:s0+s26], $0x80, s16, s26, $0xb8;
	[tilespmem:$0x1E0A0] =	vst v63  }
0x90: {  	_ =	swait.ge [sflag:s3], $0x4000  }
0x91: {  	[sflag:s3] =	ssyncset.done $0x0  }
0x92: {  	[sflag:s3] =	ssyncadd.s32 $0xFFFFC000  }
0x93: {  	_ =	swait.ge [sflag:s1], $0x80  }
0x94: {  	[sflag:s1] =	ssyncset.done $0x0  }
0x95: {  	[sflag:s1] =	ssyncadd.s32 $0xFFFFFF80  }
0x96: {  	[spmem:s4] =	stream.indirect.scatter.add.f32 [tilespmem:s28], [sflag:$0x7], $0x80, s23, s26, $0xb8;
	[tilespmem:$0x1E0A0] =	vst v63  }
0x97: {  	_ =	swait.ge [sflag:s31], $0x4000  }
0x98: {  	[sflag:s31] =	ssyncset.done $0x0  }
0x99: {  	s12 =	rddreg [dreg:$0xd];
	[sflag:s31] =	ssyncadd.s32 $0xFFFFC000  }
0x9a: {  	[tilespmem:s23], [sflag:$0x4] =	stream.linear.gather [hbm4b:s12+s5], $0x80, $0x38;
	[tilespmem:$0x1E0A0] =	vst v63  }
0x9b: {  	s13 =	simm.s32 $0x2680  }
0x9c: {  	[tilespmem:s28], [sflag:$0x2] =	stream.indirect.gather [hbm4b:s0+s26], $0x80, s13, s26, $0xb8;
	[tilespmem:$0x1E0A0] =	vst v63  }
0x9d: {  	_ =	swait.ge [sflag:s29], $0x4000  }
0x9e: {  	[sflag:s29] =	ssyncset.done $0x0  }
0x9f: {  	[sflag:s29] =	ssyncadd.s32 $0xFFFFC000  }
0xa0: {  	_ =	swait.ge [sflag:s30], $0x80  }
0xa1: {  	[sflag:s30] =	ssyncset.done $0x0  }
0xa2: {  	[sflag:s30] =	ssyncadd.s32 $0xFFFFFF80  }
0xa3: {  	[spmem:s4] =	stream.indirect.scatter.add.f32 [tilespmem:s21], [sflag:$0x7], $0x80, s22, s26, $0xb8;
	[tilespmem:$0x1E0A0] =	vst v63  }
0xa4: {  	_ =	swait.ge [sflag:s31], $0x4000  }
0xa5: {  	[sflag:s31] =	ssyncset.done $0x0  }
0xa6: {  	s14 =	rddreg [dreg:$0xe];
	[sflag:s31] =	ssyncadd.s32 $0xFFFFC000  }
0xa7: {  	[tilespmem:s7], [sflag:$0x3] =	stream.linear.gather [hbm4b:s14+s5], $0x10, $0x38;
	[tilespmem:$0x1E0A0] =	vst v63  }
0xa8: {  	s15 =	simm.s32 $0x2700  }
0xa9: {  	[tilespmem:s21], [sflag:$0x1] =	stream.indirect.gather [hbm4b:s0+s8], $0x80, s15, s8, $0xb8;
	[tilespmem:$0x1E0A0] =	vst v63  }
0xaa: {  	_ =	swait.ge [sflag:s3], $0x4000  }
0xab: {  	[sflag:s3] =	ssyncset.done $0x0  }
0xac: {  	[sflag:s3] =	ssyncadd.s32 $0xFFFFC000  }
0xad: {  	_ =	swait.ge [sflag:s1], $0x80  }
0xae: {  	[sflag:s1] =	ssyncset.done $0x0  }
0xaf: {  	[sflag:s1] =	ssyncadd.s32 $0xFFFFFF80  }
0xb0: {  	[spmem:s4] =	stream.indirect.scatter.add.f32 [tilespmem:s28], [sflag:$0x7], $0x80, s23, s26, $0xb8;
	[tilespmem:$0x1E0A0] =	vst v63  }
0xb1: {  	_ =	swait.ge [sflag:s31], $0x4000  }
0xb2: {  	[sflag:s31] =	ssyncset.done $0x0  }
0xb3: {  	[sflag:s31] =	ssyncadd.s32 $0xFFFFC000  }
0xb4: {  	_ =	swait.ge [sflag:s29], $0x800  }
0xb5: {  	[sflag:s29] =	ssyncset.done $0x0  }
0xb6: {  	[sflag:s29] =	ssyncadd.s32 $0xFFFFF800  }
0xb7: {  	_ =	swait.ge [sflag:s30], $0x10  }
0xb8: {  	[sflag:s30] =	ssyncset.done $0x0  }
0xb9: {  	[sflag:s30] =	ssyncadd.s32 $0xFFFFFFF0  }
0xba: {  	[spmem:s4] =	stream.indirect.scatter.add.f32 [tilespmem:s21], [sflag:$0x7], $0x80, s7, s8, $0xb8;
	[tilespmem:$0x1E0A0] =	vst v63  }
0xbb: {  	s16 =	stileid.u32;
	_ =	swait.ge [sflag:s31], $0x800  }
0xbc: {  	s9 =	sadd.s32 $0x1, s9;
	s11 =	sshll.u32 s16, $0x6;
	[sflag:s31] =	ssyncset.done $0x0  }
0xbd: {  	p0 =	sne.s32 s9, s18;
	s11 =	sor.u32 $0x1C07, s11;
	[sflag:s31] =	ssyncadd.s32 $0xFFFFF800  }
.Ltmp2:
0xbe: {  	s12 =	sshrl.u32 s6, $0x3;
	[bflag:$0x0] =	sbarrier.arrive $0xFFFF;
	(pc) =	sbr.rel @p0 .LBB2_1-.Ltmp2, $4  }
0xbf: {  	[hbm:s17], [sflag:s11] =	dma.local [spmem:s12], $0x2710  }
0xc0: {  	_ =	swait.ge [sflag:s31], $0x2710  }
0xc1: {  	[sflag:s31] =	ssyncset.done $0x0  }
0xc2: {  	[sflag:s31] =	ssyncadd.s32 $0xFFFFD8F0  }
0xc3: {  	_ =	sfence.sel $0x180000  }
0xc4: {  	[bflag:$0x0] =	sbarrier.arrive $0xFFFF  }
0xc5: {  	_ =	strace $0x9000004A  }
0xc6: {  	s0 =	stileid.u32;
	[bflag:$0x2] =	sbarrier.arrive $0xFFFF  }
0xc7: {  	p0 =	sne.s32 s0, $0x0;
	s0 =	rddreg [dreg:$0x5]  }
0xc8: {  	s0 =	sadd.s32 @!p0 $0x100000, s0  }
0xc9: {  	[sflag:s0] =	ssyncadd.tile.s32 @!p0 $0x1;
	_ =	shalt  }
.Lfunc_end2:
_tile_overlayer_lowered:
.L_overlay_start_2:
0xca: {  	(tag) =	ssettag $0x2  }
0xcb: {  	s0 =	rddreg [dreg:$0x0];
	s2 =	stileid.u32  }
0xcc: {  	s1 =	rddreg [dreg:$0x1];
	p0 =	sne.s32 s2, $0x0  }
0xcd: {  	s3 =	rddreg [dreg:$0x2];
	[bflag:$0x3] =	sbarrier.arrive $0xFFFF;
	s2 =	simm.s32 @!p0 $0x1C07  }
0xce: {  	[timem:s3], [sflag:s2] =	dma.local @!p0 [hbm:s0], s1  }
0xcf: {  	s0 =	simm.s32 @!p0 $0x7  }
0xd0: {  	_ =	swait.ge @!p0 [sflag:s0], s1  }
0xd1: {  	s1 =	ssub.s32 @!p0 $0x0, s1;
	[sflag:s0] =	ssyncset.done @!p0 $0x0  }
0xd2: {  	[sflag:s0] =	ssyncadd.s32 @!p0 s1  }
0xd3: {  	[bflag:$0x3] =	sbarrier.arrive $0xFFFF  }
0xd4: {  	_ =	shalt  }

</sc_bundles>
